<compile_context>
chip_gen: v7x
topology: tpu7x:2x2x1
jax: 0.10.2.dev20260603
libtpu: 0.0.44.dev20260713+nightly
codegen_flags: <defaults>
</compile_context>

<pallas_src>
import functools

import jax
import jax.numpy as jnp
from jax import lax
from jax.experimental import pallas as pl
from jax.experimental.pallas import tpu as pltpu
from jax.experimental.pallas import tpu_sc as plsc

N, E, D, H, O = 10000, 320000, 128, 64, 64
NP = 10240
NC, NS = 2, 16
BATCH = 128
CW = 8
NB = 160
EP = NS * NB * BATCH
ROWS_PT = NP // NS
NBUF = 4



def _sc_body(y_hbm, src_hbm, dst_hbm, zrows_hbm, zcnt_hbm, ones_hbm,
             sums_hbm, cnt_hbm,
             src_v, dst_v, buf0, buf1, buf2, buf3, ones_v, acc, cacc,
             sem0, sem1, sem2, sem3, csem):
  cid = lax.axis_index("c")
  sid = lax.axis_index("s")
  bufs = [buf0, buf1, buf2, buf3]
  sems = [sem0, sem1, sem2, sem3]

  @pl.when(cid == 0)
  def _():
    pltpu.sync_copy(zrows_hbm, acc.at[pl.ds(sid * ROWS_PT, ROWS_PT)])
    pltpu.sync_copy(zcnt_hbm, cacc.at[pl.ds(sid * ROWS_PT, ROWS_PT)])
    pltpu.sync_copy(ones_hbm, ones_v)
    pltpu.sync_copy(src_hbm.at[sid], src_v)
    pltpu.sync_copy(dst_hbm.at[sid], dst_v)
    plsc.subcore_barrier()

    for k in range(NBUF):
      pltpu.async_copy(y_hbm.at[src_v.at[k]], bufs[k], sems[k])

    def _step(i, carry):
      for k in range(NBUF):
        b = NBUF * i + k
        pltpu.make_async_copy(y_hbm.at[src_v.at[b]], bufs[k], sems[k]).wait()
        pltpu.sync_copy(bufs[k], acc.at[dst_v.at[b]], add=True)
        pltpu.async_copy(ones_v, cacc.at[dst_v.at[b]], csem, add=True)

        @pl.when(i > 0)
        def _():
          pltpu.make_async_copy(ones_v, cacc.at[dst_v.at[b]], csem).wait()

        @pl.when(b + NBUF < NB)
        def _():
          pltpu.async_copy(y_hbm.at[src_v.at[b + NBUF]], bufs[k], sems[k])
      return carry

    lax.fori_loop(0, NB // NBUF, _step, 0)
    for k in range(NBUF):
      pltpu.make_async_copy(ones_v, cacc.at[dst_v.at[0]], csem).wait()
    plsc.subcore_barrier()

    pltpu.sync_copy(acc.at[pl.ds(sid * ROWS_PT, ROWS_PT)],
                    sums_hbm.at[pl.ds(sid * ROWS_PT, ROWS_PT)])
    pltpu.sync_copy(cacc.at[pl.ds(sid * ROWS_PT, ROWS_PT)],
                    cnt_hbm.at[pl.ds(sid * ROWS_PT, ROWS_PT)])


_sc_segment_mean_parts = functools.partial(
    pl.kernel,
    out_type=[
        jax.ShapeDtypeStruct((NP, H), jnp.float32),
        jax.ShapeDtypeStruct((NP, CW), jnp.float32),
    ],
    mesh=plsc.VectorSubcoreMesh(core_axis_name="c", subcore_axis_name="s"),
    compiler_params=pltpu.CompilerParams(use_tc_tiling_on_sc=False),
    scratch_types=[
        pltpu.VMEM((NB, BATCH), jnp.int32),
        pltpu.VMEM((NB, BATCH), jnp.int32),
        pltpu.VMEM((BATCH, H), jnp.float32),
        pltpu.VMEM((BATCH, H), jnp.float32),
        pltpu.VMEM((BATCH, H), jnp.float32),
        pltpu.VMEM((BATCH, H), jnp.float32),
        pltpu.VMEM((BATCH, CW), jnp.float32),
        pltpu.VMEM_SHARED((NP, H), jnp.float32),
        pltpu.VMEM_SHARED((NP, CW), jnp.float32),
        pltpu.SemaphoreType.DMA,
        pltpu.SemaphoreType.DMA,
        pltpu.SemaphoreType.DMA,
        pltpu.SemaphoreType.DMA,
        pltpu.SemaphoreType.DMA,
    ],
)(_sc_body)



def _mm_body(x_ref, wl_ref, wr_ref, y_ref, z_ref):
  xb = x_ref[...]
  y_ref[...] = jnp.dot(xb, wl_ref[...], preferred_element_type=jnp.float32)
  z_ref[...] = jnp.dot(xb, wr_ref[...], preferred_element_type=jnp.float32)


def _tc_in_proj(x, W_l, W_r):
  blk = N // 10
  return pl.pallas_call(
      _mm_body,
      grid=(10,),
      in_specs=[
          pl.BlockSpec((blk, D), lambda i: (i, 0)),
          pl.BlockSpec((D, H), lambda i: (0, 0)),
          pl.BlockSpec((D, H), lambda i: (0, 0)),
      ],
      out_specs=[
          pl.BlockSpec((blk, H), lambda i: (i, 0)),
          pl.BlockSpec((blk, H), lambda i: (i, 0)),
      ],
      out_shape=[
          jax.ShapeDtypeStruct((N, H), jnp.float32),
          jax.ShapeDtypeStruct((N, H), jnp.float32),
      ],
      compiler_params=pltpu.CompilerParams(
          dimension_semantics=("parallel",)),
  )(x, W_l, W_r)


def _out_body(sums_ref, cnt_ref, z_ref, bl_ref, wlin_ref, blin_ref, o_ref):
  s = sums_ref[...]
  c = cnt_ref[...][:, 0:1]
  mean = s / jnp.maximum(c, 1.0)
  h = mean + bl_ref[...] + z_ref[...]
  h = jnp.where(h > 0.0, h, jnp.exp(jnp.minimum(h, 0.0)) - 1.0)
  o_ref[...] = (jnp.dot(h, wlin_ref[...], preferred_element_type=jnp.float32)
                + blin_ref[...])


def _tc_out_proj(sums, cnts, z, b_l, W_lin, b_lin):
  blk = N // 10
  return pl.pallas_call(
      _out_body,
      grid=(10,),
      in_specs=[
          pl.BlockSpec((blk, H), lambda i: (i, 0)),
          pl.BlockSpec((blk, CW), lambda i: (i, 0)),
          pl.BlockSpec((blk, H), lambda i: (i, 0)),
          pl.BlockSpec((1, H), lambda i: (0, 0)),
          pl.BlockSpec((H, O), lambda i: (0, 0)),
          pl.BlockSpec((1, O), lambda i: (0, 0)),
      ],
      out_specs=pl.BlockSpec((blk, O), lambda i: (i, 0)),
      out_shape=jax.ShapeDtypeStruct((N, O), jnp.float32),
      compiler_params=pltpu.CompilerParams(
          dimension_semantics=("parallel",)),
  )(sums, cnts, z, b_l.reshape(1, H), W_lin, b_lin.reshape(1, O))



def kernel(x, edge_index, W_l, b_l, W_r, W_lin, b_lin):
  y, z = _tc_in_proj(x, W_l, W_r)

  pad_e = EP - E
  src_p = jnp.concatenate(
      [edge_index[0], jnp.zeros((pad_e,), jnp.int32)]).reshape(NS, NB, BATCH)
  pad_dst = N + (jnp.arange(pad_e, dtype=jnp.int32) % (NP - N))
  dst_p = jnp.concatenate([edge_index[1], pad_dst]).reshape(NS, NB, BATCH)

  zrows = jnp.zeros((ROWS_PT, H), jnp.float32)
  zcnt = jnp.zeros((ROWS_PT, CW), jnp.float32)
  ones_rows = jnp.zeros((BATCH, CW), jnp.float32).at[:, 0].set(1.0)
  sums, cnts = _sc_segment_mean_parts(y, src_p, dst_p, zrows, zcnt, ones_rows)

  return _tc_out_proj(sums, cnts, z, b_l, W_lin, b_lin)

# --- scband reference (transcript-rebuilt; emitter-appended) ---
"""Pipeline reference for scband-graph-sage-87325275062793 (READ-ONLY COPY).

The authoritative reference and input builder live on the scoring server;
editing this copy changes nothing except your own understanding.
"""

import jax, jax.numpy as jnp
import numpy as np

N, E, D, H, O = 10000, 320000, 128, 64, 64

def setup_inputs(seed: int = 0) -> dict:
    key = jax.random.key(seed)
    ks = jax.random.split(key, 8)
    x = jax.random.normal(ks[0], (N, D), dtype=jnp.float32)
    edge_index = jax.random.randint(ks[1], (2, E), 0, N, dtype=jnp.int32)
    # SAGEConv parameters (PyG-style: lin_l applied to aggregated neighbors, lin_r to root)
    W_l = jax.random.normal(ks[2], (D, H), dtype=jnp.float32) / np.sqrt(D)
    b_l = jnp.zeros((H,), dtype=jnp.float32)
    W_r = jax.random.normal(ks[3], (D, H), dtype=jnp.float32) / np.sqrt(D)
    # final Linear(hidden_dim, output_dim)
    W_lin = jax.random.normal(ks[4], (H, O), dtype=jnp.float32) / np.sqrt(H)
    b_lin = jnp.zeros((O,), dtype=jnp.float32)
    return {"x": x, "edge_index": edge_index, "W_l": W_l, "b_l": b_l, "W_r": W_r, "W_lin": W_lin, "b_lin": b_lin}

def reference(x, edge_index, W_l, b_l, W_r, W_lin, b_lin):
    # Note: with num_layers=2, the original forward loop only applies convs[0], then linear.
    src = edge_index[0]
    dst = edge_index[1]
    msgs = jnp.take(x, src, axis=0)                      # gather x_j
    sums = jax.ops.segment_sum(msgs, dst, num_segments=N)  # scatter-add per dst node
    cnt = jax.ops.segment_sum(jnp.ones((E, 1), dtype=x.dtype), dst, num_segments=N)
    mean = sums / jnp.maximum(cnt, 1.0)                  # mean aggregation
    h = mean @ W_l + b_l + x @ W_r                       # SAGEConv
    # dropout(p=0.2) is identity at inference time
    h = jax.nn.elu(h)
    out = h @ W_lin + b_lin
    return out

if __name__ == "__main__":
    import jax
    _d = setup_inputs()
    print(jax.jit(kernel)(*tuple(_d.values())))

</pallas_src>

<mosaic_0001>
#map = affine_map<(d0, d1) -> (0, 0)>
#map1 = affine_map<(d0, d1) -> (0, 0, 0)>
module attributes {stable_mosaic.version = 14 : i64} {
  func.func @_sc_body(%arg0: i32, %arg1: i32, %arg2: memref<10000x64xf32, #tpu.memory_space<hbm>>, %arg3: memref<16x160x128xi32, #tpu.memory_space<hbm>>, %arg4: memref<16x160x128xi32, #tpu.memory_space<hbm>>, %arg5: memref<640x64xf32, #tpu.memory_space<hbm>>, %arg6: memref<640x8xf32, #tpu.memory_space<hbm>>, %arg7: memref<128x8xf32, #tpu.memory_space<hbm>>, %arg8: memref<10240x64xf32, #tpu.memory_space<hbm>>, %arg9: memref<10240x8xf32, #tpu.memory_space<hbm>>, %arg10: memref<160x128xi32, #tpu.memory_space<vmem>>, %arg11: memref<160x128xi32, #tpu.memory_space<vmem>>, %arg12: memref<128x64xf32, #tpu.memory_space<vmem>>, %arg13: memref<128x64xf32, #tpu.memory_space<vmem>>, %arg14: memref<128x64xf32, #tpu.memory_space<vmem>>, %arg15: memref<128x64xf32, #tpu.memory_space<vmem>>, %arg16: memref<128x8xf32, #tpu.memory_space<vmem>>, %arg17: memref<10240x64xf32, #tpu.memory_space<vmem_shared>>, %arg18: memref<10240x8xf32, #tpu.memory_space<vmem_shared>>, %arg19: memref<!tpu.dma_semaphore, #tpu.memory_space<semaphore_mem>>, %arg20: memref<!tpu.dma_semaphore, #tpu.memory_space<semaphore_mem>>, %arg21: memref<!tpu.dma_semaphore, #tpu.memory_space<semaphore_mem>>, %arg22: memref<!tpu.dma_semaphore, #tpu.memory_space<semaphore_mem>>, %arg23: memref<!tpu.dma_semaphore, #tpu.memory_space<semaphore_mem>>) attributes {dimension_semantics = [#tpu.dimension_semantics<core_parallel>, #tpu.dimension_semantics<subcore_parallel>], iteration_bounds = array<i64: 2, 16>, scalar_prefetch = 0 : i64, scratch_operands = 14 : i64, tpu.core_type = #tpu.core_type<sc_vector_subcore>, window_params = [{transform_indices = #map}, {transform_indices = #map1}, {transform_indices = #map1}, {transform_indices = #map}, {transform_indices = #map}, {transform_indices = #map}, {transform_indices = #map}, {transform_indices = #map}]} {
    %eq3A = arith.constant 0 : i32
    %eq3A_0 = arith.cmpi eq, %arg0, %eq3A : i32
    %convert_element_type3A = arith.extui %eq3A_0 : i1 to i32
    %cond3A = arith.constant 0 : i32
    %cond3A_1 = arith.cmpi ne, %convert_element_type3A, %cond3A : i32
    scf.if %cond3A_1 {
      %mul3A = arith.constant 640 : i32
      %mul3A_2 = arith.muli %arg1, %mul3A : i32
      "tpu.region"() ({
        %run_scoped3A = tpu.sem_alloc : memref<!tpu.dma_semaphore, #tpu.memory_space<semaphore_mem>>
        %dma_start3A_73 = arith.constant 0 : i32
        %dma_start3A_74 = tpu.memref_slice %arg17[%mul3A_2, %dma_start3A_73] : memref<10240x64xf32, #tpu.memory_space<vmem_shared>> -> memref<640x64xf32, #tpu.memory_space<vmem_shared>>
        tpu.enqueue_dma source(%arg5 : memref<640x64xf32, #tpu.memory_space<hbm>>) target(%dma_start3A_74 : memref<640x64xf32, #tpu.memory_space<vmem_shared>>) target_semaphore(%run_scoped3A : memref<!tpu.dma_semaphore, #tpu.memory_space<semaphore_mem>>)
        %dma_wait3A_75 = arith.constant 0 : i32
        %dma_wait3A_76 = tpu.memref_slice %arg17[%mul3A_2, %dma_wait3A_75] : memref<10240x64xf32, #tpu.memory_space<vmem_shared>> -> memref<640x64xf32, #tpu.memory_space<vmem_shared>>
        tpu.wait_dma2 semaphore(%run_scoped3A : memref<!tpu.dma_semaphore, #tpu.memory_space<semaphore_mem>>) src(%arg5 : memref<640x64xf32, #tpu.memory_space<hbm>>) dst(%dma_wait3A_76 : memref<640x64xf32, #tpu.memory_space<vmem_shared>>)
        tpu.yield
      }) : () -> ()
      %mul3A_3 = arith.constant 640 : i32
      %mul3A_4 = arith.muli %arg1, %mul3A_3 : i32
      "tpu.region"() ({
        %run_scoped3A = tpu.sem_alloc : memref<!tpu.dma_semaphore, #tpu.memory_space<semaphore_mem>>
        %dma_start3A_73 = arith.constant 0 : i32
        %dma_start3A_74 = tpu.memref_slice %arg18[%mul3A_4, %dma_start3A_73] : memref<10240x8xf32, #tpu.memory_space<vmem_shared>> -> memref<640x8xf32, #tpu.memory_space<vmem_shared>>
        tpu.enqueue_dma source(%arg6 : memref<640x8xf32, #tpu.memory_space<hbm>>) target(%dma_start3A_74 : memref<640x8xf32, #tpu.memory_space<vmem_shared>>) target_semaphore(%run_scoped3A : memref<!tpu.dma_semaphore, #tpu.memory_space<semaphore_mem>>)
        %dma_wait3A_75 = arith.constant 0 : i32
        %dma_wait3A_76 = tpu.memref_slice %arg18[%mul3A_4, %dma_wait3A_75] : memref<10240x8xf32, #tpu.memory_space<vmem_shared>> -> memref<640x8xf32, #tpu.memory_space<vmem_shared>>
        tpu.wait_dma2 semaphore(%run_scoped3A : memref<!tpu.dma_semaphore, #tpu.memory_space<semaphore_mem>>) src(%arg6 : memref<640x8xf32, #tpu.memory_space<hbm>>) dst(%dma_wait3A_76 : memref<640x8xf32, #tpu.memory_space<vmem_shared>>)
        tpu.yield
      }) : () -> ()
      "tpu.region"() ({
        %run_scoped3A = tpu.sem_alloc : memref<!tpu.dma_semaphore, #tpu.memory_space<semaphore_mem>>
        tpu.enqueue_dma source(%arg7 : memref<128x8xf32, #tpu.memory_space<hbm>>) target(%arg16 : memref<128x8xf32, #tpu.memory_space<vmem>>) target_semaphore(%run_scoped3A : memref<!tpu.dma_semaphore, #tpu.memory_space<semaphore_mem>>)
        tpu.wait_dma2 semaphore(%run_scoped3A : memref<!tpu.dma_semaphore, #tpu.memory_space<semaphore_mem>>) src(%arg7 : memref<128x8xf32, #tpu.memory_space<hbm>>) dst(%arg16 : memref<128x8xf32, #tpu.memory_space<vmem>>)
        tpu.yield
      }) : () -> ()
      "tpu.region"() ({
        %run_scoped3A = tpu.sem_alloc : memref<!tpu.dma_semaphore, #tpu.memory_space<semaphore_mem>>
        %dma_start3A_73 = arith.constant 0 : i32
        %dma_start3A_74 = arith.constant 0 : i32
        %dma_start3A_75 = tpu.memref_slice %arg3[%arg1, %dma_start3A_73, %dma_start3A_74] : memref<16x160x128xi32, #tpu.memory_space<hbm>> -> memref<1x160x128xi32, #tpu.memory_space<hbm>>
        %dma_start3A_76 = tpu.memref_squeeze %dma_start3A_75 : memref<1x160x128xi32, #tpu.memory_space<hbm>> -> memref<160x128xi32, #tpu.memory_space<hbm>>
        %dma_start3A_77 = arith.constant 0 : i32
        %dma_start3A_78 = arith.constant 0 : i32
        %dma_start3A_79 = tpu.memref_slice %arg3[%arg1, %dma_start3A_77, %dma_start3A_78] : memref<16x160x128xi32, #tpu.memory_space<hbm>> -> memref<1x160x128xi32, #tpu.memory_space<hbm>>
        %dma_start3A_80 = tpu.memref_squeeze %dma_start3A_79 : memref<1x160x128xi32, #tpu.memory_space<hbm>> -> memref<160x128xi32, #tpu.memory_space<hbm>>
        tpu.enqueue_dma source(%dma_start3A_80 : memref<160x128xi32, #tpu.memory_space<hbm>>) target(%arg10 : memref<160x128xi32, #tpu.memory_space<vmem>>) target_semaphore(%run_scoped3A : memref<!tpu.dma_semaphore, #tpu.memory_space<semaphore_mem>>)
        %dma_wait3A_81 = arith.constant 0 : i32
        %dma_wait3A_82 = arith.constant 0 : i32
        %dma_wait3A_83 = tpu.memref_slice %arg3[%arg1, %dma_wait3A_81, %dma_wait3A_82] : memref<16x160x128xi32, #tpu.memory_space<hbm>> -> memref<1x160x128xi32, #tpu.memory_space<hbm>>
        %dma_wait3A_84 = tpu.memref_squeeze %dma_wait3A_83 : memref<1x160x128xi32, #tpu.memory_space<hbm>> -> memref<160x128xi32, #tpu.memory_space<hbm>>
        %dma_wait3A_85 = arith.constant 0 : i32
        %dma_wait3A_86 = arith.constant 0 : i32
        %dma_wait3A_87 = tpu.memref_slice %arg3[%arg1, %dma_wait3A_85, %dma_wait3A_86] : memref<16x160x128xi32, #tpu.memory_space<hbm>> -> memref<1x160x128xi32, #tpu.memory_space<hbm>>
        %dma_wait3A_88 = tpu.memref_squeeze %dma_wait3A_87 : memref<1x160x128xi32, #tpu.memory_space<hbm>> -> memref<160x128xi32, #tpu.memory_space<hbm>>
        tpu.wait_dma2 semaphore(%run_scoped3A : memref<!tpu.dma_semaphore, #tpu.memory_space<semaphore_mem>>) src(%dma_wait3A_88 : memref<160x128xi32, #tpu.memory_space<hbm>>) dst(%arg10 : memref<160x128xi32, #tpu.memory_space<vmem>>)
        tpu.yield
      }) : () -> ()
      "tpu.region"() ({
        %run_scoped3A = tpu.sem_alloc : memref<!tpu.dma_semaphore, #tpu.memory_space<semaphore_mem>>
        %dma_start3A_73 = arith.constant 0 : i32
        %dma_start3A_74 = arith.constant 0 : i32
        %dma_start3A_75 = tpu.memref_slice %arg4[%arg1, %dma_start3A_73, %dma_start3A_74] : memref<16x160x128xi32, #tpu.memory_space<hbm>> -> memref<1x160x128xi32, #tpu.memory_space<hbm>>
        %dma_start3A_76 = tpu.memref_squeeze %dma_start3A_75 : memref<1x160x128xi32, #tpu.memory_space<hbm>> -> memref<160x128xi32, #tpu.memory_space<hbm>>
        %dma_start3A_77 = arith.constant 0 : i32
        %dma_start3A_78 = arith.constant 0 : i32
        %dma_start3A_79 = tpu.memref_slice %arg4[%arg1, %dma_start3A_77, %dma_start3A_78] : memref<16x160x128xi32, #tpu.memory_space<hbm>> -> memref<1x160x128xi32, #tpu.memory_space<hbm>>
        %dma_start3A_80 = tpu.memref_squeeze %dma_start3A_79 : memref<1x160x128xi32, #tpu.memory_space<hbm>> -> memref<160x128xi32, #tpu.memory_space<hbm>>
        tpu.enqueue_dma source(%dma_start3A_80 : memref<160x128xi32, #tpu.memory_space<hbm>>) target(%arg11 : memref<160x128xi32, #tpu.memory_space<vmem>>) target_semaphore(%run_scoped3A : memref<!tpu.dma_semaphore, #tpu.memory_space<semaphore_mem>>)
        %dma_wait3A_81 = arith.constant 0 : i32
        %dma_wait3A_82 = arith.constant 0 : i32
        %dma_wait3A_83 = tpu.memref_slice %arg4[%arg1, %dma_wait3A_81, %dma_wait3A_82] : memref<16x160x128xi32, #tpu.memory_space<hbm>> -> memref<1x160x128xi32, #tpu.memory_space<hbm>>
        %dma_wait3A_84 = tpu.memref_squeeze %dma_wait3A_83 : memref<1x160x128xi32, #tpu.memory_space<hbm>> -> memref<160x128xi32, #tpu.memory_space<hbm>>
        %dma_wait3A_85 = arith.constant 0 : i32
        %dma_wait3A_86 = arith.constant 0 : i32
        %dma_wait3A_87 = tpu.memref_slice %arg4[%arg1, %dma_wait3A_85, %dma_wait3A_86] : memref<16x160x128xi32, #tpu.memory_space<hbm>> -> memref<1x160x128xi32, #tpu.memory_space<hbm>>
        %dma_wait3A_88 = tpu.memref_squeeze %dma_wait3A_87 : memref<1x160x128xi32, #tpu.memory_space<hbm>> -> memref<160x128xi32, #tpu.memory_space<hbm>>
        tpu.wait_dma2 semaphore(%run_scoped3A : memref<!tpu.dma_semaphore, #tpu.memory_space<semaphore_mem>>) src(%dma_wait3A_88 : memref<160x128xi32, #tpu.memory_space<hbm>>) dst(%arg11 : memref<160x128xi32, #tpu.memory_space<vmem>>)
        tpu.yield
      }) : () -> ()
      %barrier3A = arith.constant 0 : index
      tpu.barrier barrier_id(%barrier3A)
      %dma_start3A = arith.constant 0 : i32
      %dma_start3A_5 = arith.constant 0 : i32
      %dma_start3A_6 = tpu.memref_slice %arg10[%dma_start3A, %dma_start3A_5] : memref<160x128xi32, #tpu.memory_space<vmem>> -> memref<1x128xi32, #tpu.memory_space<vmem>>
      %dma_start3A_7 = tpu.memref_squeeze %dma_start3A_6 : memref<1x128xi32, #tpu.memory_space<vmem>> -> memref<128xi32, #tpu.memory_space<vmem>>
      %dma_start3A_8 = arith.constant 0 : i32
      %dma_start3A_9 = arith.constant 0 : i32
      %dma_start3A_10 = tpu.memref_slice %arg2[%dma_start3A_8, %dma_start3A_9] : memref<10000x64xf32, #tpu.memory_space<hbm>> -> memref<10000x64xf32, #tpu.memory_space<hbm>>
      tpu.enqueue_indirect_dma source(%dma_start3A_10 : memref<10000x64xf32, #tpu.memory_space<hbm>>) target(%arg12 : memref<128x64xf32, #tpu.memory_space<vmem>>) offsets(%dma_start3A_7 : memref<128xi32, #tpu.memory_space<vmem>>) semaphore(%arg19 : memref<!tpu.dma_semaphore, #tpu.memory_space<semaphore_mem>>)
      %dma_start3A_11 = arith.constant 1 : i32
      %dma_start3A_12 = arith.constant 0 : i32
      %dma_start3A_13 = tpu.memref_slice %arg10[%dma_start3A_11, %dma_start3A_12] : memref<160x128xi32, #tpu.memory_space<vmem>> -> memref<1x128xi32, #tpu.memory_space<vmem>>
      %dma_start3A_14 = tpu.memref_squeeze %dma_start3A_13 : memref<1x128xi32, #tpu.memory_space<vmem>> -> memref<128xi32, #tpu.memory_space<vmem>>
      %dma_start3A_15 = arith.constant 0 : i32
      %dma_start3A_16 = arith.constant 0 : i32
      %dma_start3A_17 = tpu.memref_slice %arg2[%dma_start3A_15, %dma_start3A_16] : memref<10000x64xf32, #tpu.memory_space<hbm>> -> memref<10000x64xf32, #tpu.memory_space<hbm>>
      tpu.enqueue_indirect_dma source(%dma_start3A_17 : memref<10000x64xf32, #tpu.memory_space<hbm>>) target(%arg13 : memref<128x64xf32, #tpu.memory_space<vmem>>) offsets(%dma_start3A_14 : memref<128xi32, #tpu.memory_space<vmem>>) semaphore(%arg20 : memref<!tpu.dma_semaphore, #tpu.memory_space<semaphore_mem>>)
      %dma_start3A_18 = arith.constant 2 : i32
      %dma_start3A_19 = arith.constant 0 : i32
      %dma_start3A_20 = tpu.memref_slice %arg10[%dma_start3A_18, %dma_start3A_19] : memref<160x128xi32, #tpu.memory_space<vmem>> -> memref<1x128xi32, #tpu.memory_space<vmem>>
      %dma_start3A_21 = tpu.memref_squeeze %dma_start3A_20 : memref<1x128xi32, #tpu.memory_space<vmem>> -> memref<128xi32, #tpu.memory_space<vmem>>
      %dma_start3A_22 = arith.constant 0 : i32
      %dma_start3A_23 = arith.constant 0 : i32
      %dma_start3A_24 = tpu.memref_slice %arg2[%dma_start3A_22, %dma_start3A_23] : memref<10000x64xf32, #tpu.memory_space<hbm>> -> memref<10000x64xf32, #tpu.memory_space<hbm>>
      tpu.enqueue_indirect_dma source(%dma_start3A_24 : memref<10000x64xf32, #tpu.memory_space<hbm>>) target(%arg14 : memref<128x64xf32, #tpu.memory_space<vmem>>) offsets(%dma_start3A_21 : memref<128xi32, #tpu.memory_space<vmem>>) semaphore(%arg21 : memref<!tpu.dma_semaphore, #tpu.memory_space<semaphore_mem>>)
      %dma_start3A_25 = arith.constant 3 : i32
      %dma_start3A_26 = arith.constant 0 : i32
      %dma_start3A_27 = tpu.memref_slice %arg10[%dma_start3A_25, %dma_start3A_26] : memref<160x128xi32, #tpu.memory_space<vmem>> -> memref<1x128xi32, #tpu.memory_space<vmem>>
      %dma_start3A_28 = tpu.memref_squeeze %dma_start3A_27 : memref<1x128xi32, #tpu.memory_space<vmem>> -> memref<128xi32, #tpu.memory_space<vmem>>
      %dma_start3A_29 = arith.constant 0 : i32
      %dma_start3A_30 = arith.constant 0 : i32
      %dma_start3A_31 = tpu.memref_slice %arg2[%dma_start3A_29, %dma_start3A_30] : memref<10000x64xf32, #tpu.memory_space<hbm>> -> memref<10000x64xf32, #tpu.memory_space<hbm>>
      tpu.enqueue_indirect_dma source(%dma_start3A_31 : memref<10000x64xf32, #tpu.memory_space<hbm>>) target(%arg15 : memref<128x64xf32, #tpu.memory_space<vmem>>) offsets(%dma_start3A_28 : memref<128xi32, #tpu.memory_space<vmem>>) semaphore(%arg22 : memref<!tpu.dma_semaphore, #tpu.memory_space<semaphore_mem>>)
      %scan3A = arith.constant 0 : i32
      %scan3A_32 = arith.constant 0 : i32
      %scan3A_33 = arith.constant 40 : i32
      %scan3A_34 = arith.addi %scan3A_32, %scan3A_33 : i32
      %scan3A_35 = arith.constant 1 : i32
      scf.for %scan3A_73 = %scan3A_32 to %scan3A_34 step %scan3A_35  : i32 {
        %mul3A_74 = arith.constant 4 : i32
        %mul3A_75 = arith.muli %mul3A_74, %scan3A_73 : i32
        %add3A = arith.constant 0 : i32
        %add3A_76 = arith.addi %mul3A_75, %add3A : i32
        %dma_wait3A_77 = arith.constant 0 : i32
        %dma_wait3A_78 = tpu.memref_slice %arg10[%add3A_76, %dma_wait3A_77] : memref<160x128xi32, #tpu.memory_space<vmem>> -> memref<1x128xi32, #tpu.memory_space<vmem>>
        %dma_wait3A_79 = tpu.memref_squeeze %dma_wait3A_78 : memref<1x128xi32, #tpu.memory_space<vmem>> -> memref<128xi32, #tpu.memory_space<vmem>>
        %dma_wait3A_80 = arith.constant 0 : i32
        %dma_wait3A_81 = arith.constant 0 : i32
        %dma_wait3A_82 = tpu.memref_slice %arg2[%dma_wait3A_80, %dma_wait3A_81] : memref<10000x64xf32, #tpu.memory_space<hbm>> -> memref<10000x64xf32, #tpu.memory_space<hbm>>
        tpu.wait_indirect_dma semaphore(%arg19 : memref<!tpu.dma_semaphore, #tpu.memory_space<semaphore_mem>>) src(%dma_wait3A_82 : memref<10000x64xf32, #tpu.memory_space<hbm>>) dst(%arg12 : memref<128x64xf32, #tpu.memory_space<vmem>>)
        "tpu.region"() ({
          %run_scoped3A = tpu.sem_alloc : memref<!tpu.dma_semaphore, #tpu.memory_space<semaphore_mem>>
          %dma_start3A_183 = arith.constant 0 : i32
          %dma_start3A_184 = tpu.memref_slice %arg11[%add3A_76, %dma_start3A_183] : memref<160x128xi32, #tpu.memory_space<vmem>> -> memref<1x128xi32, #tpu.memory_space<vmem>>
          %dma_start3A_185 = tpu.memref_squeeze %dma_start3A_184 : memref<1x128xi32, #tpu.memory_space<vmem>> -> memref<128xi32, #tpu.memory_space<vmem>>
          %dma_start3A_186 = arith.constant 0 : i32
          %dma_start3A_187 = arith.constant 0 : i32
          %dma_start3A_188 = tpu.memref_slice %arg17[%dma_start3A_186, %dma_start3A_187] : memref<10240x64xf32, #tpu.memory_space<vmem_shared>> -> memref<10240x64xf32, #tpu.memory_space<vmem_shared>>
          tpu.enqueue_indirect_dma source(%arg12 : memref<128x64xf32, #tpu.memory_space<vmem>>) target(%dma_start3A_188 : memref<10240x64xf32, #tpu.memory_space<vmem_shared>>) offsets(%dma_start3A_185 : memref<128xi32, #tpu.memory_space<vmem>>) semaphore(%run_scoped3A : memref<!tpu.dma_semaphore, #tpu.memory_space<semaphore_mem>>) {add = true}
          %dma_wait3A_189 = arith.constant 0 : i32
          %dma_wait3A_190 = tpu.memref_slice %arg11[%add3A_76, %dma_wait3A_189] : memref<160x128xi32, #tpu.memory_space<vmem>> -> memref<1x128xi32, #tpu.memory_space<vmem>>
          %dma_wait3A_191 = tpu.memref_squeeze %dma_wait3A_190 : memref<1x128xi32, #tpu.memory_space<vmem>> -> memref<128xi32, #tpu.memory_space<vmem>>
          %dma_wait3A_192 = arith.constant 0 : i32
          %dma_wait3A_193 = arith.constant 0 : i32
          %dma_wait3A_194 = tpu.memref_slice %arg17[%dma_wait3A_192, %dma_wait3A_193] : memref<10240x64xf32, #tpu.memory_space<vmem_shared>> -> memref<10240x64xf32, #tpu.memory_space<vmem_shared>>
          tpu.wait_indirect_dma semaphore(%run_scoped3A : memref<!tpu.dma_semaphore, #tpu.memory_space<semaphore_mem>>) src(%arg12 : memref<128x64xf32, #tpu.memory_space<vmem>>) dst(%dma_wait3A_194 : memref<10240x64xf32, #tpu.memory_space<vmem_shared>>)
          tpu.yield
        }) : () -> ()
        %dma_start3A_83 = arith.constant 0 : i32
        %dma_start3A_84 = tpu.memref_slice %arg11[%add3A_76, %dma_start3A_83] : memref<160x128xi32, #tpu.memory_space<vmem>> -> memref<1x128xi32, #tpu.memory_space<vmem>>
        %dma_start3A_85 = tpu.memref_squeeze %dma_start3A_84 : memref<1x128xi32, #tpu.memory_space<vmem>> -> memref<128xi32, #tpu.memory_space<vmem>>
        %dma_start3A_86 = arith.constant 0 : i32
        %dma_start3A_87 = arith.constant 0 : i32
        %dma_start3A_88 = tpu.memref_slice %arg18[%dma_start3A_86, %dma_start3A_87] : memref<10240x8xf32, #tpu.memory_space<vmem_shared>> -> memref<10240x8xf32, #tpu.memory_space<vmem_shared>>
        tpu.enqueue_indirect_dma source(%arg16 : memref<128x8xf32, #tpu.memory_space<vmem>>) target(%dma_start3A_88 : memref<10240x8xf32, #tpu.memory_space<vmem_shared>>) offsets(%dma_start3A_85 : memref<128xi32, #tpu.memory_space<vmem>>) semaphore(%arg23 : memref<!tpu.dma_semaphore, #tpu.memory_space<semaphore_mem>>) {add = true}
        %gt3A = arith.constant 0 : i32
        %gt3A_89 = arith.cmpi sgt, %scan3A_73, %gt3A : i32
        %convert_element_type3A_90 = arith.extui %gt3A_89 : i1 to i32
        %cond3A_91 = arith.constant 0 : i32
        %cond3A_92 = arith.cmpi ne, %convert_element_type3A_90, %cond3A_91 : i32
        scf.if %cond3A_92 {
          %dma_wait3A_183 = arith.constant 0 : i32
          %dma_wait3A_184 = tpu.memref_slice %arg11[%add3A_76, %dma_wait3A_183] : memref<160x128xi32, #tpu.memory_space<vmem>> -> memref<1x128xi32, #tpu.memory_space<vmem>>
          %dma_wait3A_185 = tpu.memref_squeeze %dma_wait3A_184 : memref<1x128xi32, #tpu.memory_space<vmem>> -> memref<128xi32, #tpu.memory_space<vmem>>
          %dma_wait3A_186 = arith.constant 0 : i32
          %dma_wait3A_187 = arith.constant 0 : i32
          %dma_wait3A_188 = tpu.memref_slice %arg18[%dma_wait3A_186, %dma_wait3A_187] : memref<10240x8xf32, #tpu.memory_space<vmem_shared>> -> memref<10240x8xf32, #tpu.memory_space<vmem_shared>>
          tpu.wait_indirect_dma semaphore(%arg23 : memref<!tpu.dma_semaphore, #tpu.memory_space<semaphore_mem>>) src(%arg16 : memref<128x8xf32, #tpu.memory_space<vmem>>) dst(%dma_wait3A_188 : memref<10240x8xf32, #tpu.memory_space<vmem_shared>>)
        } else {
        }
        %add3A_93 = arith.constant 4 : i32
        %add3A_94 = arith.addi %add3A_76, %add3A_93 : i32
        %lt3A = arith.constant 160 : i32
        %lt3A_95 = arith.cmpi slt, %add3A_94, %lt3A : i32
        %convert_element_type3A_96 = arith.extui %lt3A_95 : i1 to i32
        %cond3A_97 = arith.constant 0 : i32
        %cond3A_98 = arith.cmpi ne, %convert_element_type3A_96, %cond3A_97 : i32
        scf.if %cond3A_98 {
          %add3A_183 = arith.constant 4 : i32
          %add3A_184 = arith.addi %add3A_76, %add3A_183 : i32
          %dma_start3A_185 = arith.constant 0 : i32
          %dma_start3A_186 = tpu.memref_slice %arg10[%add3A_184, %dma_start3A_185] : memref<160x128xi32, #tpu.memory_space<vmem>> -> memref<1x128xi32, #tpu.memory_space<vmem>>
          %dma_start3A_187 = tpu.memref_squeeze %dma_start3A_186 : memref<1x128xi32, #tpu.memory_space<vmem>> -> memref<128xi32, #tpu.memory_space<vmem>>
          %dma_start3A_188 = arith.constant 0 : i32
          %dma_start3A_189 = arith.constant 0 : i32
          %dma_start3A_190 = tpu.memref_slice %arg2[%dma_start3A_188, %dma_start3A_189] : memref<10000x64xf32, #tpu.memory_space<hbm>> -> memref<10000x64xf32, #tpu.memory_space<hbm>>
          tpu.enqueue_indirect_dma source(%dma_start3A_190 : memref<10000x64xf32, #tpu.memory_space<hbm>>) target(%arg12 : memref<128x64xf32, #tpu.memory_space<vmem>>) offsets(%dma_start3A_187 : memref<128xi32, #tpu.memory_space<vmem>>) semaphore(%arg19 : memref<!tpu.dma_semaphore, #tpu.memory_space<semaphore_mem>>)
        } else {
        }
        %mul3A_99 = arith.constant 4 : i32
        %mul3A_100 = arith.muli %mul3A_99, %scan3A_73 : i32
        %add3A_101 = arith.constant 1 : i32
        %add3A_102 = arith.addi %mul3A_100, %add3A_101 : i32
        %dma_wait3A_103 = arith.constant 0 : i32
        %dma_wait3A_104 = tpu.memref_slice %arg10[%add3A_102, %dma_wait3A_103] : memref<160x128xi32, #tpu.memory_space<vmem>> -> memref<1x128xi32, #tpu.memory_space<vmem>>
        %dma_wait3A_105 = tpu.memref_squeeze %dma_wait3A_104 : memref<1x128xi32, #tpu.memory_space<vmem>> -> memref<128xi32, #tpu.memory_space<vmem>>
        %dma_wait3A_106 = arith.constant 0 : i32
        %dma_wait3A_107 = arith.constant 0 : i32
        %dma_wait3A_108 = tpu.memref_slice %arg2[%dma_wait3A_106, %dma_wait3A_107] : memref<10000x64xf32, #tpu.memory_space<hbm>> -> memref<10000x64xf32, #tpu.memory_space<hbm>>
        tpu.wait_indirect_dma semaphore(%arg20 : memref<!tpu.dma_semaphore, #tpu.memory_space<semaphore_mem>>) src(%dma_wait3A_108 : memref<10000x64xf32, #tpu.memory_space<hbm>>) dst(%arg13 : memref<128x64xf32, #tpu.memory_space<vmem>>)
        "tpu.region"() ({
          %run_scoped3A = tpu.sem_alloc : memref<!tpu.dma_semaphore, #tpu.memory_space<semaphore_mem>>
          %dma_start3A_183 = arith.constant 0 : i32
          %dma_start3A_184 = tpu.memref_slice %arg11[%add3A_102, %dma_start3A_183] : memref<160x128xi32, #tpu.memory_space<vmem>> -> memref<1x128xi32, #tpu.memory_space<vmem>>
          %dma_start3A_185 = tpu.memref_squeeze %dma_start3A_184 : memref<1x128xi32, #tpu.memory_space<vmem>> -> memref<128xi32, #tpu.memory_space<vmem>>
          %dma_start3A_186 = arith.constant 0 : i32
          %dma_start3A_187 = arith.constant 0 : i32
          %dma_start3A_188 = tpu.memref_slice %arg17[%dma_start3A_186, %dma_start3A_187] : memref<10240x64xf32, #tpu.memory_space<vmem_shared>> -> memref<10240x64xf32, #tpu.memory_space<vmem_shared>>
          tpu.enqueue_indirect_dma source(%arg13 : memref<128x64xf32, #tpu.memory_space<vmem>>) target(%dma_start3A_188 : memref<10240x64xf32, #tpu.memory_space<vmem_shared>>) offsets(%dma_start3A_185 : memref<128xi32, #tpu.memory_space<vmem>>) semaphore(%run_scoped3A : memref<!tpu.dma_semaphore, #tpu.memory_space<semaphore_mem>>) {add = true}
          %dma_wait3A_189 = arith.constant 0 : i32
          %dma_wait3A_190 = tpu.memref_slice %arg11[%add3A_102, %dma_wait3A_189] : memref<160x128xi32, #tpu.memory_space<vmem>> -> memref<1x128xi32, #tpu.memory_space<vmem>>
          %dma_wait3A_191 = tpu.memref_squeeze %dma_wait3A_190 : memref<1x128xi32, #tpu.memory_space<vmem>> -> memref<128xi32, #tpu.memory_space<vmem>>
          %dma_wait3A_192 = arith.constant 0 : i32
          %dma_wait3A_193 = arith.constant 0 : i32
          %dma_wait3A_194 = tpu.memref_slice %arg17[%dma_wait3A_192, %dma_wait3A_193] : memref<10240x64xf32, #tpu.memory_space<vmem_shared>> -> memref<10240x64xf32, #tpu.memory_space<vmem_shared>>
          tpu.wait_indirect_dma semaphore(%run_scoped3A : memref<!tpu.dma_semaphore, #tpu.memory_space<semaphore_mem>>) src(%arg13 : memref<128x64xf32, #tpu.memory_space<vmem>>) dst(%dma_wait3A_194 : memref<10240x64xf32, #tpu.memory_space<vmem_shared>>)
          tpu.yield
        }) : () -> ()
        %dma_start3A_109 = arith.constant 0 : i32
        %dma_start3A_110 = tpu.memref_slice %arg11[%add3A_102, %dma_start3A_109] : memref<160x128xi32, #tpu.memory_space<vmem>> -> memref<1x128xi32, #tpu.memory_space<vmem>>
        %dma_start3A_111 = tpu.memref_squeeze %dma_start3A_110 : memref<1x128xi32, #tpu.memory_space<vmem>> -> memref<128xi32, #tpu.memory_space<vmem>>
        %dma_start3A_112 = arith.constant 0 : i32
        %dma_start3A_113 = arith.constant 0 : i32
        %dma_start3A_114 = tpu.memref_slice %arg18[%dma_start3A_112, %dma_start3A_113] : memref<10240x8xf32, #tpu.memory_space<vmem_shared>> -> memref<10240x8xf32, #tpu.memory_space<vmem_shared>>
        tpu.enqueue_indirect_dma source(%arg16 : memref<128x8xf32, #tpu.memory_space<vmem>>) target(%dma_start3A_114 : memref<10240x8xf32, #tpu.memory_space<vmem_shared>>) offsets(%dma_start3A_111 : memref<128xi32, #tpu.memory_space<vmem>>) semaphore(%arg23 : memref<!tpu.dma_semaphore, #tpu.memory_space<semaphore_mem>>) {add = true}
        %gt3A_115 = arith.constant 0 : i32
        %gt3A_116 = arith.cmpi sgt, %scan3A_73, %gt3A_115 : i32
        %convert_element_type3A_117 = arith.extui %gt3A_116 : i1 to i32
        %cond3A_118 = arith.constant 0 : i32
        %cond3A_119 = arith.cmpi ne, %convert_element_type3A_117, %cond3A_118 : i32
        scf.if %cond3A_119 {
          %dma_wait3A_183 = arith.constant 0 : i32
          %dma_wait3A_184 = tpu.memref_slice %arg11[%add3A_102, %dma_wait3A_183] : memref<160x128xi32, #tpu.memory_space<vmem>> -> memref<1x128xi32, #tpu.memory_space<vmem>>
          %dma_wait3A_185 = tpu.memref_squeeze %dma_wait3A_184 : memref<1x128xi32, #tpu.memory_space<vmem>> -> memref<128xi32, #tpu.memory_space<vmem>>
          %dma_wait3A_186 = arith.constant 0 : i32
          %dma_wait3A_187 = arith.constant 0 : i32
          %dma_wait3A_188 = tpu.memref_slice %arg18[%dma_wait3A_186, %dma_wait3A_187] : memref<10240x8xf32, #tpu.memory_space<vmem_shared>> -> memref<10240x8xf32, #tpu.memory_space<vmem_shared>>
          tpu.wait_indirect_dma semaphore(%arg23 : memref<!tpu.dma_semaphore, #tpu.memory_space<semaphore_mem>>) src(%arg16 : memref<128x8xf32, #tpu.memory_space<vmem>>) dst(%dma_wait3A_188 : memref<10240x8xf32, #tpu.memory_space<vmem_shared>>)
        } else {
        }
        %add3A_120 = arith.constant 4 : i32
        %add3A_121 = arith.addi %add3A_102, %add3A_120 : i32
        %lt3A_122 = arith.constant 160 : i32
        %lt3A_123 = arith.cmpi slt, %add3A_121, %lt3A_122 : i32
        %convert_element_type3A_124 = arith.extui %lt3A_123 : i1 to i32
        %cond3A_125 = arith.constant 0 : i32
        %cond3A_126 = arith.cmpi ne, %convert_element_type3A_124, %cond3A_125 : i32
        scf.if %cond3A_126 {
          %add3A_183 = arith.constant 4 : i32
          %add3A_184 = arith.addi %add3A_102, %add3A_183 : i32
          %dma_start3A_185 = arith.constant 0 : i32
          %dma_start3A_186 = tpu.memref_slice %arg10[%add3A_184, %dma_start3A_185] : memref<160x128xi32, #tpu.memory_space<vmem>> -> memref<1x128xi32, #tpu.memory_space<vmem>>
          %dma_start3A_187 = tpu.memref_squeeze %dma_start3A_186 : memref<1x128xi32, #tpu.memory_space<vmem>> -> memref<128xi32, #tpu.memory_space<vmem>>
          %dma_start3A_188 = arith.constant 0 : i32
          %dma_start3A_189 = arith.constant 0 : i32
          %dma_start3A_190 = tpu.memref_slice %arg2[%dma_start3A_188, %dma_start3A_189] : memref<10000x64xf32, #tpu.memory_space<hbm>> -> memref<10000x64xf32, #tpu.memory_space<hbm>>
          tpu.enqueue_indirect_dma source(%dma_start3A_190 : memref<10000x64xf32, #tpu.memory_space<hbm>>) target(%arg13 : memref<128x64xf32, #tpu.memory_space<vmem>>) offsets(%dma_start3A_187 : memref<128xi32, #tpu.memory_space<vmem>>) semaphore(%arg20 : memref<!tpu.dma_semaphore, #tpu.memory_space<semaphore_mem>>)
        } else {
        }
        %mul3A_127 = arith.constant 4 : i32
        %mul3A_128 = arith.muli %mul3A_127, %scan3A_73 : i32
        %add3A_129 = arith.constant 2 : i32
        %add3A_130 = arith.addi %mul3A_128, %add3A_129 : i32
        %dma_wait3A_131 = arith.constant 0 : i32
        %dma_wait3A_132 = tpu.memref_slice %arg10[%add3A_130, %dma_wait3A_131] : memref<160x128xi32, #tpu.memory_space<vmem>> -> memref<1x128xi32, #tpu.memory_space<vmem>>
        %dma_wait3A_133 = tpu.memref_squeeze %dma_wait3A_132 : memref<1x128xi32, #tpu.memory_space<vmem>> -> memref<128xi32, #tpu.memory_space<vmem>>
        %dma_wait3A_134 = arith.constant 0 : i32
        %dma_wait3A_135 = arith.constant 0 : i32
        %dma_wait3A_136 = tpu.memref_slice %arg2[%dma_wait3A_134, %dma_wait3A_135] : memref<10000x64xf32, #tpu.memory_space<hbm>> -> memref<10000x64xf32, #tpu.memory_space<hbm>>
        tpu.wait_indirect_dma semaphore(%arg21 : memref<!tpu.dma_semaphore, #tpu.memory_space<semaphore_mem>>) src(%dma_wait3A_136 : memref<10000x64xf32, #tpu.memory_space<hbm>>) dst(%arg14 : memref<128x64xf32, #tpu.memory_space<vmem>>)
        "tpu.region"() ({
          %run_scoped3A = tpu.sem_alloc : memref<!tpu.dma_semaphore, #tpu.memory_space<semaphore_mem>>
          %dma_start3A_183 = arith.constant 0 : i32
          %dma_start3A_184 = tpu.memref_slice %arg11[%add3A_130, %dma_start3A_183] : memref<160x128xi32, #tpu.memory_space<vmem>> -> memref<1x128xi32, #tpu.memory_space<vmem>>
          %dma_start3A_185 = tpu.memref_squeeze %dma_start3A_184 : memref<1x128xi32, #tpu.memory_space<vmem>> -> memref<128xi32, #tpu.memory_space<vmem>>
          %dma_start3A_186 = arith.constant 0 : i32
          %dma_start3A_187 = arith.constant 0 : i32
          %dma_start3A_188 = tpu.memref_slice %arg17[%dma_start3A_186, %dma_start3A_187] : memref<10240x64xf32, #tpu.memory_space<vmem_shared>> -> memref<10240x64xf32, #tpu.memory_space<vmem_shared>>
          tpu.enqueue_indirect_dma source(%arg14 : memref<128x64xf32, #tpu.memory_space<vmem>>) target(%dma_start3A_188 : memref<10240x64xf32, #tpu.memory_space<vmem_shared>>) offsets(%dma_start3A_185 : memref<128xi32, #tpu.memory_space<vmem>>) semaphore(%run_scoped3A : memref<!tpu.dma_semaphore, #tpu.memory_space<semaphore_mem>>) {add = true}
          %dma_wait3A_189 = arith.constant 0 : i32
          %dma_wait3A_190 = tpu.memref_slice %arg11[%add3A_130, %dma_wait3A_189] : memref<160x128xi32, #tpu.memory_space<vmem>> -> memref<1x128xi32, #tpu.memory_space<vmem>>
          %dma_wait3A_191 = tpu.memref_squeeze %dma_wait3A_190 : memref<1x128xi32, #tpu.memory_space<vmem>> -> memref<128xi32, #tpu.memory_space<vmem>>
          %dma_wait3A_192 = arith.constant 0 : i32
          %dma_wait3A_193 = arith.constant 0 : i32
          %dma_wait3A_194 = tpu.memref_slice %arg17[%dma_wait3A_192, %dma_wait3A_193] : memref<10240x64xf32, #tpu.memory_space<vmem_shared>> -> memref<10240x64xf32, #tpu.memory_space<vmem_shared>>
          tpu.wait_indirect_dma semaphore(%run_scoped3A : memref<!tpu.dma_semaphore, #tpu.memory_space<semaphore_mem>>) src(%arg14 : memref<128x64xf32, #tpu.memory_space<vmem>>) dst(%dma_wait3A_194 : memref<10240x64xf32, #tpu.memory_space<vmem_shared>>)
          tpu.yield
        }) : () -> ()
        %dma_start3A_137 = arith.constant 0 : i32
        %dma_start3A_138 = tpu.memref_slice %arg11[%add3A_130, %dma_start3A_137] : memref<160x128xi32, #tpu.memory_space<vmem>> -> memref<1x128xi32, #tpu.memory_space<vmem>>
        %dma_start3A_139 = tpu.memref_squeeze %dma_start3A_138 : memref<1x128xi32, #tpu.memory_space<vmem>> -> memref<128xi32, #tpu.memory_space<vmem>>
        %dma_start3A_140 = arith.constant 0 : i32
        %dma_start3A_141 = arith.constant 0 : i32
        %dma_start3A_142 = tpu.memref_slice %arg18[%dma_start3A_140, %dma_start3A_141] : memref<10240x8xf32, #tpu.memory_space<vmem_shared>> -> memref<10240x8xf32, #tpu.memory_space<vmem_shared>>
        tpu.enqueue_indirect_dma source(%arg16 : memref<128x8xf32, #tpu.memory_space<vmem>>) target(%dma_start3A_142 : memref<10240x8xf32, #tpu.memory_space<vmem_shared>>) offsets(%dma_start3A_139 : memref<128xi32, #tpu.memory_space<vmem>>) semaphore(%arg23 : memref<!tpu.dma_semaphore, #tpu.memory_space<semaphore_mem>>) {add = true}
        %gt3A_143 = arith.constant 0 : i32
        %gt3A_144 = arith.cmpi sgt, %scan3A_73, %gt3A_143 : i32
        %convert_element_type3A_145 = arith.extui %gt3A_144 : i1 to i32
        %cond3A_146 = arith.constant 0 : i32
        %cond3A_147 = arith.cmpi ne, %convert_element_type3A_145, %cond3A_146 : i32
        scf.if %cond3A_147 {
          %dma_wait3A_183 = arith.constant 0 : i32
          %dma_wait3A_184 = tpu.memref_slice %arg11[%add3A_130, %dma_wait3A_183] : memref<160x128xi32, #tpu.memory_space<vmem>> -> memref<1x128xi32, #tpu.memory_space<vmem>>
          %dma_wait3A_185 = tpu.memref_squeeze %dma_wait3A_184 : memref<1x128xi32, #tpu.memory_space<vmem>> -> memref<128xi32, #tpu.memory_space<vmem>>
          %dma_wait3A_186 = arith.constant 0 : i32
          %dma_wait3A_187 = arith.constant 0 : i32
          %dma_wait3A_188 = tpu.memref_slice %arg18[%dma_wait3A_186, %dma_wait3A_187] : memref<10240x8xf32, #tpu.memory_space<vmem_shared>> -> memref<10240x8xf32, #tpu.memory_space<vmem_shared>>
          tpu.wait_indirect_dma semaphore(%arg23 : memref<!tpu.dma_semaphore, #tpu.memory_space<semaphore_mem>>) src(%arg16 : memref<128x8xf32, #tpu.memory_space<vmem>>) dst(%dma_wait3A_188 : memref<10240x8xf32, #tpu.memory_space<vmem_shared>>)
        } else {
        }
        %add3A_148 = arith.constant 4 : i32
        %add3A_149 = arith.addi %add3A_130, %add3A_148 : i32
        %lt3A_150 = arith.constant 160 : i32
        %lt3A_151 = arith.cmpi slt, %add3A_149, %lt3A_150 : i32
        %convert_element_type3A_152 = arith.extui %lt3A_151 : i1 to i32
        %cond3A_153 = arith.constant 0 : i32
        %cond3A_154 = arith.cmpi ne, %convert_element_type3A_152, %cond3A_153 : i32
        scf.if %cond3A_154 {
          %add3A_183 = arith.constant 4 : i32
          %add3A_184 = arith.addi %add3A_130, %add3A_183 : i32
          %dma_start3A_185 = arith.constant 0 : i32
          %dma_start3A_186 = tpu.memref_slice %arg10[%add3A_184, %dma_start3A_185] : memref<160x128xi32, #tpu.memory_space<vmem>> -> memref<1x128xi32, #tpu.memory_space<vmem>>
          %dma_start3A_187 = tpu.memref_squeeze %dma_start3A_186 : memref<1x128xi32, #tpu.memory_space<vmem>> -> memref<128xi32, #tpu.memory_space<vmem>>
          %dma_start3A_188 = arith.constant 0 : i32
          %dma_start3A_189 = arith.constant 0 : i32
          %dma_start3A_190 = tpu.memref_slice %arg2[%dma_start3A_188, %dma_start3A_189] : memref<10000x64xf32, #tpu.memory_space<hbm>> -> memref<10000x64xf32, #tpu.memory_space<hbm>>
          tpu.enqueue_indirect_dma source(%dma_start3A_190 : memref<10000x64xf32, #tpu.memory_space<hbm>>) target(%arg14 : memref<128x64xf32, #tpu.memory_space<vmem>>) offsets(%dma_start3A_187 : memref<128xi32, #tpu.memory_space<vmem>>) semaphore(%arg21 : memref<!tpu.dma_semaphore, #tpu.memory_space<semaphore_mem>>)
        } else {
        }
        %mul3A_155 = arith.constant 4 : i32
        %mul3A_156 = arith.muli %mul3A_155, %scan3A_73 : i32
        %add3A_157 = arith.constant 3 : i32
        %add3A_158 = arith.addi %mul3A_156, %add3A_157 : i32
        %dma_wait3A_159 = arith.constant 0 : i32
        %dma_wait3A_160 = tpu.memref_slice %arg10[%add3A_158, %dma_wait3A_159] : memref<160x128xi32, #tpu.memory_space<vmem>> -> memref<1x128xi32, #tpu.memory_space<vmem>>
        %dma_wait3A_161 = tpu.memref_squeeze %dma_wait3A_160 : memref<1x128xi32, #tpu.memory_space<vmem>> -> memref<128xi32, #tpu.memory_space<vmem>>
        %dma_wait3A_162 = arith.constant 0 : i32
        %dma_wait3A_163 = arith.constant 0 : i32
        %dma_wait3A_164 = tpu.memref_slice %arg2[%dma_wait3A_162, %dma_wait3A_163] : memref<10000x64xf32, #tpu.memory_space<hbm>> -> memref<10000x64xf32, #tpu.memory_space<hbm>>
        tpu.wait_indirect_dma semaphore(%arg22 : memref<!tpu.dma_semaphore, #tpu.memory_space<semaphore_mem>>) src(%dma_wait3A_164 : memref<10000x64xf32, #tpu.memory_space<hbm>>) dst(%arg15 : memref<128x64xf32, #tpu.memory_space<vmem>>)
        "tpu.region"() ({
          %run_scoped3A = tpu.sem_alloc : memref<!tpu.dma_semaphore, #tpu.memory_space<semaphore_mem>>
          %dma_start3A_183 = arith.constant 0 : i32
          %dma_start3A_184 = tpu.memref_slice %arg11[%add3A_158, %dma_start3A_183] : memref<160x128xi32, #tpu.memory_space<vmem>> -> memref<1x128xi32, #tpu.memory_space<vmem>>
          %dma_start3A_185 = tpu.memref_squeeze %dma_start3A_184 : memref<1x128xi32, #tpu.memory_space<vmem>> -> memref<128xi32, #tpu.memory_space<vmem>>
          %dma_start3A_186 = arith.constant 0 : i32
          %dma_start3A_187 = arith.constant 0 : i32
          %dma_start3A_188 = tpu.memref_slice %arg17[%dma_start3A_186, %dma_start3A_187] : memref<10240x64xf32, #tpu.memory_space<vmem_shared>> -> memref<10240x64xf32, #tpu.memory_space<vmem_shared>>
          tpu.enqueue_indirect_dma source(%arg15 : memref<128x64xf32, #tpu.memory_space<vmem>>) target(%dma_start3A_188 : memref<10240x64xf32, #tpu.memory_space<vmem_shared>>) offsets(%dma_start3A_185 : memref<128xi32, #tpu.memory_space<vmem>>) semaphore(%run_scoped3A : memref<!tpu.dma_semaphore, #tpu.memory_space<semaphore_mem>>) {add = true}
          %dma_wait3A_189 = arith.constant 0 : i32
          %dma_wait3A_190 = tpu.memref_slice %arg11[%add3A_158, %dma_wait3A_189] : memref<160x128xi32, #tpu.memory_space<vmem>> -> memref<1x128xi32, #tpu.memory_space<vmem>>
          %dma_wait3A_191 = tpu.memref_squeeze %dma_wait3A_190 : memref<1x128xi32, #tpu.memory_space<vmem>> -> memref<128xi32, #tpu.memory_space<vmem>>
          %dma_wait3A_192 = arith.constant 0 : i32
          %dma_wait3A_193 = arith.constant 0 : i32
          %dma_wait3A_194 = tpu.memref_slice %arg17[%dma_wait3A_192, %dma_wait3A_193] : memref<10240x64xf32, #tpu.memory_space<vmem_shared>> -> memref<10240x64xf32, #tpu.memory_space<vmem_shared>>
          tpu.wait_indirect_dma semaphore(%run_scoped3A : memref<!tpu.dma_semaphore, #tpu.memory_space<semaphore_mem>>) src(%arg15 : memref<128x64xf32, #tpu.memory_space<vmem>>) dst(%dma_wait3A_194 : memref<10240x64xf32, #tpu.memory_space<vmem_shared>>)
          tpu.yield
        }) : () -> ()
        %dma_start3A_165 = arith.constant 0 : i32
        %dma_start3A_166 = tpu.memref_slice %arg11[%add3A_158, %dma_start3A_165] : memref<160x128xi32, #tpu.memory_space<vmem>> -> memref<1x128xi32, #tpu.memory_space<vmem>>
        %dma_start3A_167 = tpu.memref_squeeze %dma_start3A_166 : memref<1x128xi32, #tpu.memory_space<vmem>> -> memref<128xi32, #tpu.memory_space<vmem>>
        %dma_start3A_168 = arith.constant 0 : i32
        %dma_start3A_169 = arith.constant 0 : i32
        %dma_start3A_170 = tpu.memref_slice %arg18[%dma_start3A_168, %dma_start3A_169] : memref<10240x8xf32, #tpu.memory_space<vmem_shared>> -> memref<10240x8xf32, #tpu.memory_space<vmem_shared>>
        tpu.enqueue_indirect_dma source(%arg16 : memref<128x8xf32, #tpu.memory_space<vmem>>) target(%dma_start3A_170 : memref<10240x8xf32, #tpu.memory_space<vmem_shared>>) offsets(%dma_start3A_167 : memref<128xi32, #tpu.memory_space<vmem>>) semaphore(%arg23 : memref<!tpu.dma_semaphore, #tpu.memory_space<semaphore_mem>>) {add = true}
        %gt3A_171 = arith.constant 0 : i32
        %gt3A_172 = arith.cmpi sgt, %scan3A_73, %gt3A_171 : i32
        %convert_element_type3A_173 = arith.extui %gt3A_172 : i1 to i32
        %cond3A_174 = arith.constant 0 : i32
        %cond3A_175 = arith.cmpi ne, %convert_element_type3A_173, %cond3A_174 : i32
        scf.if %cond3A_175 {
          %dma_wait3A_183 = arith.constant 0 : i32
          %dma_wait3A_184 = tpu.memref_slice %arg11[%add3A_158, %dma_wait3A_183] : memref<160x128xi32, #tpu.memory_space<vmem>> -> memref<1x128xi32, #tpu.memory_space<vmem>>
          %dma_wait3A_185 = tpu.memref_squeeze %dma_wait3A_184 : memref<1x128xi32, #tpu.memory_space<vmem>> -> memref<128xi32, #tpu.memory_space<vmem>>
          %dma_wait3A_186 = arith.constant 0 : i32
          %dma_wait3A_187 = arith.constant 0 : i32
          %dma_wait3A_188 = tpu.memref_slice %arg18[%dma_wait3A_186, %dma_wait3A_187] : memref<10240x8xf32, #tpu.memory_space<vmem_shared>> -> memref<10240x8xf32, #tpu.memory_space<vmem_shared>>
          tpu.wait_indirect_dma semaphore(%arg23 : memref<!tpu.dma_semaphore, #tpu.memory_space<semaphore_mem>>) src(%arg16 : memref<128x8xf32, #tpu.memory_space<vmem>>) dst(%dma_wait3A_188 : memref<10240x8xf32, #tpu.memory_space<vmem_shared>>)
        } else {
        }
        %add3A_176 = arith.constant 4 : i32
        %add3A_177 = arith.addi %add3A_158, %add3A_176 : i32
        %lt3A_178 = arith.constant 160 : i32
        %lt3A_179 = arith.cmpi slt, %add3A_177, %lt3A_178 : i32
        %convert_element_type3A_180 = arith.extui %lt3A_179 : i1 to i32
        %cond3A_181 = arith.constant 0 : i32
        %cond3A_182 = arith.cmpi ne, %convert_element_type3A_180, %cond3A_181 : i32
        scf.if %cond3A_182 {
          %add3A_183 = arith.constant 4 : i32
          %add3A_184 = arith.addi %add3A_158, %add3A_183 : i32
          %dma_start3A_185 = arith.constant 0 : i32
          %dma_start3A_186 = tpu.memref_slice %arg10[%add3A_184, %dma_start3A_185] : memref<160x128xi32, #tpu.memory_space<vmem>> -> memref<1x128xi32, #tpu.memory_space<vmem>>
          %dma_start3A_187 = tpu.memref_squeeze %dma_start3A_186 : memref<1x128xi32, #tpu.memory_space<vmem>> -> memref<128xi32, #tpu.memory_space<vmem>>
          %dma_start3A_188 = arith.constant 0 : i32
          %dma_start3A_189 = arith.constant 0 : i32
          %dma_start3A_190 = tpu.memref_slice %arg2[%dma_start3A_188, %dma_start3A_189] : memref<10000x64xf32, #tpu.memory_space<hbm>> -> memref<10000x64xf32, #tpu.memory_space<hbm>>
          tpu.enqueue_indirect_dma source(%dma_start3A_190 : memref<10000x64xf32, #tpu.memory_space<hbm>>) target(%arg15 : memref<128x64xf32, #tpu.memory_space<vmem>>) offsets(%dma_start3A_187 : memref<128xi32, #tpu.memory_space<vmem>>) semaphore(%arg22 : memref<!tpu.dma_semaphore, #tpu.memory_space<semaphore_mem>>)
        } else {
        }
      }
      %scan3A_36 = arith.constant 40 : i32
      %dma_wait3A = arith.constant 0 : i32
      %dma_wait3A_37 = arith.constant 0 : i32
      %dma_wait3A_38 = tpu.memref_slice %arg11[%dma_wait3A, %dma_wait3A_37] : memref<160x128xi32, #tpu.memory_space<vmem>> -> memref<1x128xi32, #tpu.memory_space<vmem>>
      %dma_wait3A_39 = tpu.memref_squeeze %dma_wait3A_38 : memref<1x128xi32, #tpu.memory_space<vmem>> -> memref<128xi32, #tpu.memory_space<vmem>>
      %dma_wait3A_40 = arith.constant 0 : i32
      %dma_wait3A_41 = arith.constant 0 : i32
      %dma_wait3A_42 = tpu.memref_slice %arg18[%dma_wait3A_40, %dma_wait3A_41] : memref<10240x8xf32, #tpu.memory_space<vmem_shared>> -> memref<10240x8xf32, #tpu.memory_space<vmem_shared>>
      tpu.wait_indirect_dma semaphore(%arg23 : memref<!tpu.dma_semaphore, #tpu.memory_space<semaphore_mem>>) src(%arg16 : memref<128x8xf32, #tpu.memory_space<vmem>>) dst(%dma_wait3A_42 : memref<10240x8xf32, #tpu.memory_space<vmem_shared>>)
      %dma_wait3A_43 = arith.constant 0 : i32
      %dma_wait3A_44 = arith.constant 0 : i32
      %dma_wait3A_45 = tpu.memref_slice %arg11[%dma_wait3A_43, %dma_wait3A_44] : memref<160x128xi32, #tpu.memory_space<vmem>> -> memref<1x128xi32, #tpu.memory_space<vmem>>
      %dma_wait3A_46 = tpu.memref_squeeze %dma_wait3A_45 : memref<1x128xi32, #tpu.memory_space<vmem>> -> memref<128xi32, #tpu.memory_space<vmem>>
      %dma_wait3A_47 = arith.constant 0 : i32
      %dma_wait3A_48 = arith.constant 0 : i32
      %dma_wait3A_49 = tpu.memref_slice %arg18[%dma_wait3A_47, %dma_wait3A_48] : memref<10240x8xf32, #tpu.memory_space<vmem_shared>> -> memref<10240x8xf32, #tpu.memory_space<vmem_shared>>
      tpu.wait_indirect_dma semaphore(%arg23 : memref<!tpu.dma_semaphore, #tpu.memory_space<semaphore_mem>>) src(%arg16 : memref<128x8xf32, #tpu.memory_space<vmem>>) dst(%dma_wait3A_49 : memref<10240x8xf32, #tpu.memory_space<vmem_shared>>)
      %dma_wait3A_50 = arith.constant 0 : i32
      %dma_wait3A_51 = arith.constant 0 : i32
      %dma_wait3A_52 = tpu.memref_slice %arg11[%dma_wait3A_50, %dma_wait3A_51] : memref<160x128xi32, #tpu.memory_space<vmem>> -> memref<1x128xi32, #tpu.memory_space<vmem>>
      %dma_wait3A_53 = tpu.memref_squeeze %dma_wait3A_52 : memref<1x128xi32, #tpu.memory_space<vmem>> -> memref<128xi32, #tpu.memory_space<vmem>>
      %dma_wait3A_54 = arith.constant 0 : i32
      %dma_wait3A_55 = arith.constant 0 : i32
      %dma_wait3A_56 = tpu.memref_slice %arg18[%dma_wait3A_54, %dma_wait3A_55] : memref<10240x8xf32, #tpu.memory_space<vmem_shared>> -> memref<10240x8xf32, #tpu.memory_space<vmem_shared>>
      tpu.wait_indirect_dma semaphore(%arg23 : memref<!tpu.dma_semaphore, #tpu.memory_space<semaphore_mem>>) src(%arg16 : memref<128x8xf32, #tpu.memory_space<vmem>>) dst(%dma_wait3A_56 : memref<10240x8xf32, #tpu.memory_space<vmem_shared>>)
      %dma_wait3A_57 = arith.constant 0 : i32
      %dma_wait3A_58 = arith.constant 0 : i32
      %dma_wait3A_59 = tpu.memref_slice %arg11[%dma_wait3A_57, %dma_wait3A_58] : memref<160x128xi32, #tpu.memory_space<vmem>> -> memref<1x128xi32, #tpu.memory_space<vmem>>
      %dma_wait3A_60 = tpu.memref_squeeze %dma_wait3A_59 : memref<1x128xi32, #tpu.memory_space<vmem>> -> memref<128xi32, #tpu.memory_space<vmem>>
      %dma_wait3A_61 = arith.constant 0 : i32
      %dma_wait3A_62 = arith.constant 0 : i32
      %dma_wait3A_63 = tpu.memref_slice %arg18[%dma_wait3A_61, %dma_wait3A_62] : memref<10240x8xf32, #tpu.memory_space<vmem_shared>> -> memref<10240x8xf32, #tpu.memory_space<vmem_shared>>
      tpu.wait_indirect_dma semaphore(%arg23 : memref<!tpu.dma_semaphore, #tpu.memory_space<semaphore_mem>>) src(%arg16 : memref<128x8xf32, #tpu.memory_space<vmem>>) dst(%dma_wait3A_63 : memref<10240x8xf32, #tpu.memory_space<vmem_shared>>)
      %barrier3A_64 = arith.constant 0 : index
      tpu.barrier barrier_id(%barrier3A_64)
      %mul3A_65 = arith.constant 640 : i32
      %mul3A_66 = arith.muli %arg1, %mul3A_65 : i32
      %mul3A_67 = arith.constant 640 : i32
      %mul3A_68 = arith.muli %arg1, %mul3A_67 : i32
      "tpu.region"() ({
        %run_scoped3A = tpu.sem_alloc : memref<!tpu.dma_semaphore, #tpu.memory_space<semaphore_mem>>
        %dma_start3A_73 = arith.constant 0 : i32
        %dma_start3A_74 = tpu.memref_slice %arg8[%mul3A_68, %dma_start3A_73] : memref<10240x64xf32, #tpu.memory_space<hbm>> -> memref<640x64xf32, #tpu.memory_space<hbm>>
        %dma_start3A_75 = arith.constant 0 : i32
        %dma_start3A_76 = tpu.memref_slice %arg17[%mul3A_66, %dma_start3A_75] : memref<10240x64xf32, #tpu.memory_space<vmem_shared>> -> memref<640x64xf32, #tpu.memory_space<vmem_shared>>
        tpu.enqueue_dma source(%dma_start3A_76 : memref<640x64xf32, #tpu.memory_space<vmem_shared>>) target(%dma_start3A_74 : memref<640x64xf32, #tpu.memory_space<hbm>>) target_semaphore(%run_scoped3A : memref<!tpu.dma_semaphore, #tpu.memory_space<semaphore_mem>>)
        %dma_wait3A_77 = arith.constant 0 : i32
        %dma_wait3A_78 = tpu.memref_slice %arg8[%mul3A_68, %dma_wait3A_77] : memref<10240x64xf32, #tpu.memory_space<hbm>> -> memref<640x64xf32, #tpu.memory_space<hbm>>
        %dma_wait3A_79 = arith.constant 0 : i32
        %dma_wait3A_80 = tpu.memref_slice %arg17[%mul3A_66, %dma_wait3A_79] : memref<10240x64xf32, #tpu.memory_space<vmem_shared>> -> memref<640x64xf32, #tpu.memory_space<vmem_shared>>
        tpu.wait_dma2 semaphore(%run_scoped3A : memref<!tpu.dma_semaphore, #tpu.memory_space<semaphore_mem>>) src(%dma_wait3A_80 : memref<640x64xf32, #tpu.memory_space<vmem_shared>>) dst(%dma_wait3A_78 : memref<640x64xf32, #tpu.memory_space<hbm>>)
        tpu.yield
      }) : () -> ()
      %mul3A_69 = arith.constant 640 : i32
      %mul3A_70 = arith.muli %arg1, %mul3A_69 : i32
      %mul3A_71 = arith.constant 640 : i32
      %mul3A_72 = arith.muli %arg1, %mul3A_71 : i32
      "tpu.region"() ({
        %run_scoped3A = tpu.sem_alloc : memref<!tpu.dma_semaphore, #tpu.memory_space<semaphore_mem>>
        %dma_start3A_73 = arith.constant 0 : i32
        %dma_start3A_74 = tpu.memref_slice %arg9[%mul3A_72, %dma_start3A_73] : memref<10240x8xf32, #tpu.memory_space<hbm>> -> memref<640x8xf32, #tpu.memory_space<hbm>>
        %dma_start3A_75 = arith.constant 0 : i32
        %dma_start3A_76 = tpu.memref_slice %arg18[%mul3A_70, %dma_start3A_75] : memref<10240x8xf32, #tpu.memory_space<vmem_shared>> -> memref<640x8xf32, #tpu.memory_space<vmem_shared>>
        tpu.enqueue_dma source(%dma_start3A_76 : memref<640x8xf32, #tpu.memory_space<vmem_shared>>) target(%dma_start3A_74 : memref<640x8xf32, #tpu.memory_space<hbm>>) target_semaphore(%run_scoped3A : memref<!tpu.dma_semaphore, #tpu.memory_space<semaphore_mem>>)
        %dma_wait3A_77 = arith.constant 0 : i32
        %dma_wait3A_78 = tpu.memref_slice %arg9[%mul3A_72, %dma_wait3A_77] : memref<10240x8xf32, #tpu.memory_space<hbm>> -> memref<640x8xf32, #tpu.memory_space<hbm>>
        %dma_wait3A_79 = arith.constant 0 : i32
        %dma_wait3A_80 = tpu.memref_slice %arg18[%mul3A_70, %dma_wait3A_79] : memref<10240x8xf32, #tpu.memory_space<vmem_shared>> -> memref<640x8xf32, #tpu.memory_space<vmem_shared>>
        tpu.wait_dma2 semaphore(%run_scoped3A : memref<!tpu.dma_semaphore, #tpu.memory_space<semaphore_mem>>) src(%dma_wait3A_80 : memref<640x8xf32, #tpu.memory_space<vmem_shared>>) dst(%dma_wait3A_78 : memref<640x8xf32, #tpu.memory_space<hbm>>)
        tpu.yield
      }) : () -> ()
    } else {
    }
    return
  }
}

module attributes {stable_mosaic.version = 14 : i64} {
  func.func @_mm_body(%arg0: i32, %arg1: memref<1000x128xf32, #tpu.memory_space<vmem>>, %arg2: memref<128x64xf32, #tpu.memory_space<vmem>>, %arg3: memref<128x64xf32, #tpu.memory_space<vmem>>, %arg4: memref<1000x64xf32, #tpu.memory_space<vmem>>, %arg5: memref<1000x64xf32, #tpu.memory_space<vmem>>) attributes {dimension_semantics = [#tpu.dimension_semantics<parallel>], iteration_bounds = array<i64: 10>, scalar_prefetch = 0 : i64, scratch_operands = 0 : i64, tpu.core_type = #tpu.core_type<tc>, window_params = [{transform_indices = @transform_0, window_bounds = array<i64: 1000, 128>}, {pipeline_mode = #tpu.pipeline_mode<synchronous>, transform_indices = @transform_1, window_bounds = array<i64: 128, 64>}, {pipeline_mode = #tpu.pipeline_mode<synchronous>, transform_indices = @transform_2, window_bounds = array<i64: 128, 64>}, {transform_indices = @transform_3, window_bounds = array<i64: 1000, 64>}, {transform_indices = @transform_4, window_bounds = array<i64: 1000, 64>}]} {
    %get3A = arith.constant 0 : index
    %get3A_0 = arith.constant 0 : index
    %get3A_1 = vector.load %arg1[%get3A, %get3A_0] : memref<1000x128xf32, #tpu.memory_space<vmem>>, vector<1000x128xf32>
    %get3A_2 = arith.constant 0 : index
    %get3A_3 = arith.constant 0 : index
    %get3A_4 = vector.load %arg2[%get3A_2, %get3A_3] : memref<128x64xf32, #tpu.memory_space<vmem>>, vector<128x64xf32>
    %dot_general3A = arith.constant dense<0.000000e+00> : vector<1000x64xf32>
    %dot_general3A_5 = tpu.matmul %get3A_1, %get3A_4, %dot_general3A {dimension_numbers = #tpu.dot_dimension_numbers<[1], [0], [0], [1], [0, 0, 1, 1], [], []>, transpose_lhs_hint = false} : vector<1000x128xf32>, vector<128x64xf32>, vector<1000x64xf32> -> vector<1000x64xf32>
    %swap3A = arith.constant 0 : index
    %swap3A_6 = arith.constant 0 : index
    %swap3A_7 = vector.load %arg4[%swap3A, %swap3A_6] : memref<1000x64xf32, #tpu.memory_space<vmem>>, vector<1000x64xf32>
    tpu.vector_store %arg4[%swap3A, %swap3A_6], %dot_general3A_5 {strides = array<i32>} : memref<1000x64xf32, #tpu.memory_space<vmem>>, vector<1000x64xf32>,
    %get3A_8 = arith.constant 0 : index
    %get3A_9 = arith.constant 0 : index
    %get3A_10 = vector.load %arg3[%get3A_8, %get3A_9] : memref<128x64xf32, #tpu.memory_space<vmem>>, vector<128x64xf32>
    %dot_general3A_11 = arith.constant dense<0.000000e+00> : vector<1000x64xf32>
    %dot_general3A_12 = tpu.matmul %get3A_1, %get3A_10, %dot_general3A_11 {dimension_numbers = #tpu.dot_dimension_numbers<[1], [0], [0], [1], [0, 0, 1, 1], [], []>, transpose_lhs_hint = false} : vector<1000x128xf32>, vector<128x64xf32>, vector<1000x64xf32> -> vector<1000x64xf32>
    %swap3A_13 = arith.constant 0 : index
    %swap3A_14 = arith.constant 0 : index
    %swap3A_15 = vector.load %arg5[%swap3A_13, %swap3A_14] : memref<1000x64xf32, #tpu.memory_space<vmem>>, vector<1000x64xf32>
    tpu.vector_store %arg5[%swap3A_13, %swap3A_14], %dot_general3A_12 {strides = array<i32>} : memref<1000x64xf32, #tpu.memory_space<vmem>>, vector<1000x64xf32>,
    return
  }
  func.func @transform_0(%arg0: i32) -> (i32, i32) {
    %c0_i32 = arith.constant 0 : i32
    %c0_i32_0 = arith.constant 0 : i32
    return %arg0, %c0_i32 : i32, i32
  }
  func.func @transform_1(%arg0: i32) -> (i32, i32) {
    %c0_i32 = arith.constant 0 : i32
    %c0_i32_0 = arith.constant 0 : i32
    %c0_i32_1 = arith.constant 0 : i32
    return %c0_i32, %c0_i32_0 : i32, i32
  }
  func.func @transform_2(%arg0: i32) -> (i32, i32) {
    %c0_i32 = arith.constant 0 : i32
    %c0_i32_0 = arith.constant 0 : i32
    %c0_i32_1 = arith.constant 0 : i32
    return %c0_i32, %c0_i32_0 : i32, i32
  }
  func.func @transform_3(%arg0: i32) -> (i32, i32) {
    %c0_i32 = arith.constant 0 : i32
    %c0_i32_0 = arith.constant 0 : i32
    return %arg0, %c0_i32 : i32, i32
  }
  func.func @transform_4(%arg0: i32) -> (i32, i32) {
    %c0_i32 = arith.constant 0 : i32
    %c0_i32_0 = arith.constant 0 : i32
    return %arg0, %c0_i32 : i32, i32
  }
}

module attributes {stable_mosaic.version = 14 : i64} {
  func.func @_out_body(%arg0: i32, %arg1: memref<1000x64xf32, #tpu.memory_space<vmem>>, %arg2: memref<1000x8xf32, #tpu.memory_space<vmem>>, %arg3: memref<1000x64xf32, #tpu.memory_space<vmem>>, %arg4: memref<1x64xf32, #tpu.memory_space<vmem>>, %arg5: memref<64x64xf32, #tpu.memory_space<vmem>>, %arg6: memref<1x64xf32, #tpu.memory_space<vmem>>, %arg7: memref<1000x64xf32, #tpu.memory_space<vmem>>) attributes {dimension_semantics = [#tpu.dimension_semantics<parallel>], iteration_bounds = array<i64: 10>, scalar_prefetch = 0 : i64, scratch_operands = 0 : i64, tpu.core_type = #tpu.core_type<tc>, window_params = [{transform_indices = @transform_0, window_bounds = array<i64: 1000, 64>}, {transform_indices = @transform_1, window_bounds = array<i64: 1000, 8>}, {transform_indices = @transform_2, window_bounds = array<i64: 1000, 64>}, {pipeline_mode = #tpu.pipeline_mode<synchronous>, transform_indices = @transform_3, window_bounds = array<i64: 1, 64>}, {pipeline_mode = #tpu.pipeline_mode<synchronous>, transform_indices = @transform_4, window_bounds = array<i64: 64, 64>}, {pipeline_mode = #tpu.pipeline_mode<synchronous>, transform_indices = @transform_5, window_bounds = array<i64: 1, 64>}, {transform_indices = @transform_6, window_bounds = array<i64: 1000, 64>}]} {
    %get3A = arith.constant 0 : index
    %get3A_0 = arith.constant 0 : index
    %get3A_1 = vector.load %arg1[%get3A, %get3A_0] : memref<1000x64xf32, #tpu.memory_space<vmem>>, vector<1000x64xf32>
    %get3A_2 = arith.constant 0 : index
    %get3A_3 = arith.constant 0 : index
    %get3A_4 = vector.load %arg2[%get3A_2, %get3A_3] : memref<1000x8xf32, #tpu.memory_space<vmem>>, vector<1000x8xf32>
    %slice3A = vector.extract_strided_slice %get3A_4 {offsets = [0, 0], sizes = [1000, 1], strides = [1, 1]} : vector<1000x8xf32> to vector<1000x1xf32>
    %max3A = arith.constant 1.000000e+00 : f32
    %max3A_5 = vector.broadcast %max3A : f32 to vector<1000x1xf32>
    %max3A_6 = arith.maximumf %slice3A, %max3A_5 : vector<1000x1xf32>
    %div3A = vector.broadcast %max3A_6 : vector<1000x1xf32> to vector<1000x64xf32>
    %div3A_7 = arith.divf %get3A_1, %div3A : vector<1000x64xf32>
    %get3A_8 = arith.constant 0 : index
    %get3A_9 = arith.constant 0 : index
    %get3A_10 = vector.load %arg4[%get3A_8, %get3A_9] : memref<1x64xf32, #tpu.memory_space<vmem>>, vector<1x64xf32>
    %add3A = vector.broadcast %get3A_10 : vector<1x64xf32> to vector<1000x64xf32>
    %add3A_11 = arith.addf %div3A_7, %add3A : vector<1000x64xf32>
    %get3A_12 = arith.constant 0 : index
    %get3A_13 = arith.constant 0 : index
    %get3A_14 = vector.load %arg3[%get3A_12, %get3A_13] : memref<1000x64xf32, #tpu.memory_space<vmem>>, vector<1000x64xf32>
    %add3A_15 = arith.addf %add3A_11, %get3A_14 : vector<1000x64xf32>
    %gt3A = arith.constant 0.000000e+00 : f32
    %gt3A_16 = vector.broadcast %gt3A : f32 to vector<1000x64xf32>
    %gt3A_17 = arith.cmpf ogt, %add3A_15, %gt3A_16 : vector<1000x64xf32>
    %min3A = arith.constant 0.000000e+00 : f32
    %min3A_18 = vector.broadcast %min3A : f32 to vector<1000x64xf32>
    %min3A_19 = arith.minimumf %add3A_15, %min3A_18 : vector<1000x64xf32>
    %exp3A = math.exp %min3A_19 : vector<1000x64xf32>
    %sub3A = arith.constant 1.000000e+00 : f32
    %sub3A_20 = vector.broadcast %sub3A : f32 to vector<1000x64xf32>
    %sub3A_21 = arith.subf %exp3A, %sub3A_20 : vector<1000x64xf32>
    %select_n3A = arith.select %gt3A_17, %add3A_15, %sub3A_21 : vector<1000x64xi1>, vector<1000x64xf32>
    %get3A_22 = arith.constant 0 : index
    %get3A_23 = arith.constant 0 : index
    %get3A_24 = vector.load %arg5[%get3A_22, %get3A_23] : memref<64x64xf32, #tpu.memory_space<vmem>>, vector<64x64xf32>
    %dot_general3A = arith.constant dense<0.000000e+00> : vector<1000x64xf32>
    %dot_general3A_25 = tpu.matmul %select_n3A, %get3A_24, %dot_general3A {dimension_numbers = #tpu.dot_dimension_numbers<[1], [0], [0], [1], [0, 0, 1, 1], [], []>, transpose_lhs_hint = false} : vector<1000x64xf32>, vector<64x64xf32>, vector<1000x64xf32> -> vector<1000x64xf32>
    %get3A_26 = arith.constant 0 : index
    %get3A_27 = arith.constant 0 : index
    %get3A_28 = vector.load %arg6[%get3A_26, %get3A_27] : memref<1x64xf32, #tpu.memory_space<vmem>>, vector<1x64xf32>
    %add3A_29 = vector.broadcast %get3A_28 : vector<1x64xf32> to vector<1000x64xf32>
    %add3A_30 = arith.addf %dot_general3A_25, %add3A_29 : vector<1000x64xf32>
    %swap3A = arith.constant 0 : index
    %swap3A_31 = arith.constant 0 : index
    %swap3A_32 = vector.load %arg7[%swap3A, %swap3A_31] : memref<1000x64xf32, #tpu.memory_space<vmem>>, vector<1000x64xf32>
    tpu.vector_store %arg7[%swap3A, %swap3A_31], %add3A_30 {strides = array<i32>} : memref<1000x64xf32, #tpu.memory_space<vmem>>, vector<1000x64xf32>,
    return
  }
  func.func @transform_0(%arg0: i32) -> (i32, i32) {
    %c0_i32 = arith.constant 0 : i32
    %c0_i32_0 = arith.constant 0 : i32
    return %arg0, %c0_i32 : i32, i32
  }
  func.func @transform_1(%arg0: i32) -> (i32, i32) {
    %c0_i32 = arith.constant 0 : i32
    %c0_i32_0 = arith.constant 0 : i32
    return %arg0, %c0_i32 : i32, i32
  }
  func.func @transform_2(%arg0: i32) -> (i32, i32) {
    %c0_i32 = arith.constant 0 : i32
    %c0_i32_0 = arith.constant 0 : i32
    return %arg0, %c0_i32 : i32, i32
  }
  func.func @transform_3(%arg0: i32) -> (i32, i32) {
    %c0_i32 = arith.constant 0 : i32
    %c0_i32_0 = arith.constant 0 : i32
    %c0_i32_1 = arith.constant 0 : i32
    return %c0_i32, %c0_i32_0 : i32, i32
  }
  func.func @transform_4(%arg0: i32) -> (i32, i32) {
    %c0_i32 = arith.constant 0 : i32
    %c0_i32_0 = arith.constant 0 : i32
    %c0_i32_1 = arith.constant 0 : i32
    return %c0_i32, %c0_i32_0 : i32, i32
  }
  func.func @transform_5(%arg0: i32) -> (i32, i32) {
    %c0_i32 = arith.constant 0 : i32
    %c0_i32_0 = arith.constant 0 : i32
    %c0_i32_1 = arith.constant 0 : i32
    return %c0_i32, %c0_i32_0 : i32, i32
  }
  func.func @transform_6(%arg0: i32) -> (i32, i32) {
    %c0_i32 = arith.constant 0 : i32
    %c0_i32_0 = arith.constant 0 : i32
    return %arg0, %c0_i32 : i32, i32
  }
}

</mosaic_0001>

<sc_bundles>
// kernel: kernel.5.cloned.1.call-start
scs
__scs_entry_jumppad:
0x0: {  	(pc) =	sbr.rel $0x88, $3  }
0x1: {  	(tag) =	ssettag $0x0;
	lr =	simm.s32 $0x1  }
0x2: {  	[smem:$0x3F9A] =	sst lr;
	_ =	strace $0xD0000000  }
0x3: {  	_ = 	snop  }
0x4: {  	_ = 	snop  }
0x5: {  	_ = 	snop  }
0x6: {  	_ = 	snop  }
0x7: {  	_ = 	snop  }
__scs_overlays_trampoline_lowered:
0x8: {  	[smem:$0x3FA9] =	sst s0  }
0x9: {  	[smem:$0x3FAA] =	sst s1  }
0xa: {  	[smem:$0x3FAB] =	sst s2  }
0xb: {  	[smem:$0x3FAC] =	sst s3  }
0xc: {  	[smem:$0x3FAD] =	sst s4  }
0xd: {  	[smem:$0x3FAE] =	sst s5  }
0xe: {  	[smem:$0x3FAF] =	sst s6  }
0xf: {  	[smem:$0x3FB0] =	sst s7  }
0x10: {  	[smem:$0x3FB1] =	sst s8  }
0x11: {  	[smem:$0x3FB2] =	sst s9;
	s0 =	simm.s32 @!p0 $0x0  }
0x12: {  	s1 =	sld [smem:$0x3F98];
	s0 =	simm.s32 @p0 $0x1  }
0x13: {  	[smem:$0x3FB3] =	sst s0;
	s0 =	simm.s32 @!p1 $0x0  }
0x14: {  	s2 =	sld [smem:$0x3F97];
	s0 =	simm.s32 @p1 $0x1  }
0x15: {  	[smem:$0x3FB4] =	sst s0;
	s0 =	simm.s32 @!p2 $0x0  }
0x16: {  	s3 =	sld [smem:$0x3FDB];
	s0 =	simm.s32 @p2 $0x1  }
0x17: {  	s4 =	simm.s32 $0x1BF5;
	[smem:$0x3FB6] =	sst s0  }
0x18: {  	s0 =	sld [smem:$0x3F99];
	_ =	swait.ge [sflag:s4], $0x0  }
0x19: {  	s7 =	sld [smem:$0x3F9A]  }
0x1a: {  	s8 =	sadd.s32 $0xFFFFE003, lr  }
0x1b: {  	s9 =	sadd.s32 $0xFFFFFEF7, lr;
	s5 =	simm.s32 $0xFFFFFFFF;
	p2 =	slt.u32 s8, $0xFFFFF086  }
0x1c: {  	p1 =	slt.u32 s9, $0xF7A;
	s5 =	simm.s32 @!p2 $0x0  }
0x1d: {  	s5 =	simm.s32 @p1 $0x1;
	p0 =	seq.s32 s7, s2  }
0x1e: {  	s7 =	smul.u32 @!p0 $0xF7A, s2;
	p2 =	seq.s32 @!p0 s5, $0x0  }
0x1f: {  	s9 =	smul.u32 $0xF7A, s1;
	s8 =	simm.s32 @!p0 $0x1BF5;
	p2 =	por !p2, p0  }
0x20: {  	[sflag:s8] =	ssyncset.s32 @!p0 $0xFFFFF086;
	s6 =	sadd.s32 @!p0 s3, s7;
	s7 =	simm.s32 @!p0 $0x108  }
0x21: {  	s3 =	sadd.s32 s3, s9;
	s6 =	sadd.s32 @!p0 $0x88, s6;
	s7 =	simm.s32 @p2 $0x1082  }
0x22: {  	[simem:s7], [sflag:s8] =	dma.local @!p0 [hbm:s6], $0xF7A  }
0x23: {  	s9 =	sor.u32 $0xD0000000, s2;
	s6 =	simm.s32 $0x108;
	_ =	swait.ge @!p0 [sflag:s8], $0x0  }
0x24: {  	s3 =	sadd.s32 $0x88, s3;
	s6 =	simm.s32 @!p1 $0x1082;
	[sflag:s4] =	ssyncset.s32 $0xFFFFF086  }
0x25: {  	[simem:s6], [sflag:s4] =	dma.local [hbm:s3], $0xF7A  }
0x26: {  	[smem:$0x3F9A] =	sst s1;
	(tag) =	ssettag s2;
	_ =	strace s9  }
0x27: {  	s1 =	sld [smem:$0x3FAA]  }
0x28: {  	s2 =	sld [smem:$0x3FAB]  }
0x29: {  	s4 =	sld [smem:$0x3FAD]  }
0x2a: {  	p0 =	seq.s32 s5, $0x0;
	s5 =	sld [smem:$0x3FAE]  }
0x2b: {  	s6 =	sld [smem:$0x3FAF]  }
0x2c: {  	s7 =	sld [smem:$0x3FB0]  }
0x2d: {  	s3 =	simm.s32 $0x108;
	s8 =	sld [smem:$0x3FB1]  }
0x2e: {  	s3 =	simm.s32 @!p0 $0x1082;
	s9 =	sld [smem:$0x3FB2]  }
0x2f: {  	lr =	sadd.s32 s0, s3;
	s0 =	sld [smem:$0x3FA9]  }
0x30: {  	s3 =	sld [smem:$0x3FAC]  }
0x31: {  	[smem:$0x3FB5] =	sst s10  }
0x32: {  	s10 =	sld [smem:$0x3FB3];
	_ =	sdelay $0x3  }
0x33: {  	p0 =	seq.s32 s10, $0x1;
	s10 =	sld [smem:$0x3FB5];
	_ =	sdelay $0x3  }
0x34: {  	[smem:$0x3FB5] =	sst s10  }
0x35: {  	s10 =	sld [smem:$0x3FB4];
	_ =	sdelay $0x3  }
0x36: {  	p1 =	seq.s32 s10, $0x1;
	s10 =	sld [smem:$0x3FB5];
	_ =	sdelay $0x3  }
0x37: {  	[smem:$0x3FB5] =	sst s10  }
0x38: {  	s10 =	sld [smem:$0x3FB6]  }
0x39: {  	_ = 	snop;
	(pc) =	sbr.ind lr, $3  }
0x3a: {  	_ = 	snop  }
0x3b: {  	_ = 	snop  }
0x3c: {  	p2 =	seq.s32 s10, $0x1;
	s10 =	sld [smem:$0x3FB5]  }
0x3d: {  	_ =	shalt  }
0x3e: {  	_ =	shalt  }
0x3f: {  	_ =	shalt  }
0x40: {  	_ =	shalt  }
0x41: {  	_ =	shalt  }
0x42: {  	_ =	shalt  }
0x43: {  	_ =	shalt  }
0x44: {  	_ =	shalt  }
0x45: {  	_ =	shalt  }
0x46: {  	_ =	shalt  }
0x47: {  	_ =	shalt  }
0x48: {  	_ =	shalt  }
0x49: {  	_ =	shalt  }
0x4a: {  	_ =	shalt  }
0x4b: {  	_ =	shalt  }
0x4c: {  	_ =	shalt  }
0x4d: {  	_ =	shalt  }
0x4e: {  	_ =	shalt  }
0x4f: {  	_ =	shalt  }
0x50: {  	_ =	shalt  }
0x51: {  	_ =	shalt  }
0x52: {  	_ =	shalt  }
0x53: {  	_ =	shalt  }
0x54: {  	_ =	shalt  }
0x55: {  	_ =	shalt  }
0x56: {  	_ =	shalt  }
0x57: {  	_ =	shalt  }
0x58: {  	_ =	shalt  }
0x59: {  	_ =	shalt  }
0x5a: {  	_ =	shalt  }
0x5b: {  	_ =	shalt  }
0x5c: {  	_ =	shalt  }
0x5d: {  	_ =	shalt  }
0x5e: {  	_ =	shalt  }
0x5f: {  	_ =	shalt  }
0x60: {  	_ =	shalt  }
0x61: {  	_ =	shalt  }
0x62: {  	_ =	shalt  }
0x63: {  	_ =	shalt  }
0x64: {  	_ =	shalt  }
0x65: {  	_ =	shalt  }
0x66: {  	_ =	shalt  }
0x67: {  	_ =	shalt  }
0x68: {  	_ =	shalt  }
0x69: {  	_ =	shalt  }
0x6a: {  	_ =	shalt  }
0x6b: {  	_ =	shalt  }
0x6c: {  	_ =	shalt  }
0x6d: {  	_ =	shalt  }
0x6e: {  	_ =	shalt  }
0x6f: {  	_ =	shalt  }
0x70: {  	_ =	shalt  }
0x71: {  	_ =	shalt  }
0x72: {  	_ =	shalt  }
0x73: {  	_ =	shalt  }
0x74: {  	_ =	shalt  }
0x75: {  	_ =	shalt  }
0x76: {  	_ =	shalt  }
0x77: {  	_ =	shalt  }
0x78: {  	_ =	shalt  }
0x79: {  	_ =	shalt  }
0x7a: {  	_ =	shalt  }
0x7b: {  	_ =	shalt  }
0x7c: {  	_ =	shalt  }
0x7d: {  	_ =	shalt  }
0x7e: {  	_ =	shalt  }
0x7f: {  	_ =	shalt  }
0x80: {  	_ =	shalt  }
0x81: {  	_ =	shalt  }
0x82: {  	_ =	shalt  }
0x83: {  	_ =	shalt  }
0x84: {  	_ =	shalt  }
0x85: {  	_ =	shalt  }
0x86: {  	_ =	shalt  }
0x87: {  	_ =	shalt  }
.Lfunc_end0:
.L_simem_size_0:
called_computation_lowered:
.L_overlay_start_0:
0x88: {  	s2 =	sld [smem:$0x3FD9]  }
0x89: {  	s3 =	sld [smem:$0x3FFE];
	_ =	sdelay $0x1  }
0x8a: {  	s1 =	srdreg.scid  }
0x8b: {  	s0 =	sand.u32 $0x1, s1  }
0x8c: {  	s17 =	sshll.u32 s0, $0xA;
	s2 =	sadd.s32 s3, s2  }
0x8d: {  	s2 =	sadd.s32 s2, s17  }
0x8e: {  	[smem:$0x3FC1] =	sst s2  }
0x8f: {  	_ = 	snop  }
0x90: {  	s2 =	sld [smem:$0x3FD0];
	(tm) =	ssettm $0x1  }
0x91: {  	s18 =	sld [smem:$0x3FFB];
	_ =	sdelay $0x3  }
0x92: {  	_ =	strace s18  }
0x93: {  	s3 =	sld [smem:$0x3FFC];
	_ =	sdelay $0x3  }
0x94: {  	_ =	strace s3  }
0x95: {  	s3 =	sld [smem:$0x3FFD];
	_ =	sdelay $0x3  }
0x96: {  	_ =	strace s3  }
0x97: {  	_ =	strace $0x8FFFFFFF  }
0x98: {  	s19 =	sld [smem:$0x3FDB];
	_ =	sdelay $0x1  }
0x99: {  	s4 =	simm.s32 $_scs_section_size  }
0x9a: {  	s5 =	simm.s32 $_size__tile_overlayer_lowered;
	s6 =	simm.s32 $_tile_overlayer_lowered  }
0x9b: {  	s22 =	simm.s32 $0x1BFF;
	s21 =	sshll.u32 s6, $0x1;
	s3 =	sadd.s32 s4, s19  }
0x9c: {  	s7 =	simm.s32 $0x0;
	s20 =	sshll.u32 s5, $0x1;
	s5 =	sadd.s32 s21, s3  }
0x9d: {  	[timem:s7], [sflag:s22] =	dma.local [hbm:s5], s20  }
0x9e: {  	_ =	swait.ge [sflag:s22], s20  }
0x9f: {  	s4 =	ssub.s32 $0x0, s20;
	[sflag:s22] =	ssyncset.done $0x0  }
0xa0: {  	[sflag:s22] =	ssyncadd.s32 s4;
	_ =	sdelay $0x1  }
0xa1: {  	s23 =	simm.s32 $0x1B8B  }
0xa2: {  	_ =	swait.ge [sflag:s23], $0x1  }
0xa3: {  	[sflag:s23] =	ssyncset.done $0x0  }
0xa4: {  	s25 =	simm.s32 $0x1B8E;
	s24 =	sld [smem:$0x3FFE];
	[sflag:s23] =	ssyncadd.s32 $0xFFFFFFFF  }
0xa5: {  	s26 =	simm.s32 $execute0_lowered;
	[smem:$0x3FD2] =	sst s25  }
0xa6: {  	s5 =	sshll.u32 s26, $0x1;
	_ =	strace $0x80000046;
	[dreg:$0x1] =	wrdreg $0xFFFFFFFF  }
0xa7: {  	s28 =	simm.s32 $_size_execute0_lowered;
	s3 =	sadd.s32 s3, s5;
	[dreg:$0x0] =	wrdreg $0x0  }
0xa8: {  	s5 =	sshll.u32 s28, $0x1;
	[dreg:$0x2] =	wrdreg s3  }
0xa9: {  	[dreg:$0x3] =	wrdreg s5  }
0xaa: {  	[dreg:$0x4] =	wrdreg $0xC0  }
0xab: {  	_ =	task [dreg:s7], $0x5FFFF  }
0xac: {  	[dreg:$0x1] =	wrdreg $0xFFFFFFFF  }
0xad: {  	[dreg:$0x0] =	wrdreg $0x60  }
0xae: {  	[dreg:$0x2] =	wrdreg s2  }
0xaf: {  	[dreg:$0x3] =	wrdreg s24  }
0xb0: {  	[dreg:$0x4] =	wrdreg $0x124000  }
0xb1: {  	[dreg:$0x5] =	wrdreg $0x1C4000  }
0xb2: {  	[dreg:$0x6] =	wrdreg $0x9  }
0xb3: {  	_ =	task.clear_ibuf [dreg:s7], $0x7FFFF;
	_ =	strace $0x90000046  }
0xb4: {  	s29 =	simm.s32 $0x9;
	_ =	strace $0x80000048  }
0xb5: {  	_ =	swait.ge [sflag:s29], $0x1  }
0xb6: {  	[sflag:s29] =	ssyncadd.s32 $0xFFFFFFFF  }
0xb7: {  	_ =	strace $0x90000048  }
0xb8: {  	_ =	sfence  }
0xb9: {  	s30 =	sld [smem:$0x0];
	_ =	sdelay $0x2  }
0xba: {  	s31 =	sshll.u32 s1, $0xD;
	s1 =	sshrl.u32 s1, $0x2  }
0xbb: {  	s3 =	sand.u32 $0x4000, s31;
	s1 =	sadd.s32 s1, s30  }
0xbc: {  	s0 =	sor.u32 s3, s0;
	s1 =	sshll.u32 s1, $0x11  }
0xbd: {  	s0 =	sor.u32 s1, s0  }
0xbe: {  	s0 =	sadd.s32 $0x8F2B, s0  }
0xbf: {  	[sflag:s0] =	ssyncadd.remote.s32 $0x1  }
0xc0: {  	_ =	sfence.sel $0xFFFF  }
0xc1: {  	[dreg:$0x0] =	wrdreg $0xFFFFFFFF;
	(pc) =	sbr.abs _section_cstart, $3  }
0xc2: {  	[dreg:$0x1] =	wrdreg $0xFFFFFFFF  }
0xc3: {  	_ =	task.clear_ibuf [dreg:s7], $0x2FFFF;
	_ =	strace $0x9FFFFFFF  }
0xc4: {  	(tm) =	ssettm $0x7FFFFFFF  }
0xc5: {  	_ =	shalt  }
tec
execute0_lowered:
.L_overlay_start_1:
0x0: {  	(tag) =	ssettag $0x1  }
0x1: {  	s1 =	srdreg.scid  }
0x2: {  	s1 =	sand.u32 $0x1, s1  }
0x3: {  	s3 =	rddreg [dreg:$0x0];
	p0 =	seq.s32 s1, $0x1  }
.Ltmp0:
0x4: {  	s17 =	rddreg [dreg:$0x1];
	(pc) =	sbr.rel @p0 .LBB2_5-.Ltmp0, $4  }
0x5: {  	s4 =	rddreg [dreg:$0x2]  }
0x6: {  	s5 =	rddreg [dreg:$0x3];
	s7 =	simm.s32 $0x0  }
0x7: {  	[smem:$0x7FF] =	sst s7  }
0x8: {  	s0 =	rddreg [dreg:$0x4];
	_ =	strace $0x80000047;
	s1 =	stileid.u32  }
0x9: {  	s20 =	smul.u32 $0xA000, s1  }
0xa: {  	s2 =	sshll.u32 s1, $0x6  }
0xb: {  	s8 =	sadd.s32 $0x14C00, s17;
	s21 =	smul.u32 $0x1400, s1;
	s6 =	sadd.s32 s20, s4  }
0xc: {  	s9 =	simm.s32 $0x6;
	s2 =	sor.u32 $0x1C06, s2;
	s6 =	sshrl.u32 s6, $0x3  }
0xd: {  	[spmem:s6], [sflag:s2] =	dma.local [hbm:s8], $0x1400  }
0xe: {  	_ =	swait.ge [sflag:s9], $0x1400  }
0xf: {  	s23 =	sadd.s32 s21, s5;
	[sflag:s9] =	ssyncset.done $0x0  }
0x10: {  	s10 =	sadd.s32 $0x14800, s17;
	s8 =	sshrl.u32 s23, $0x3;
	[sflag:s9] =	ssyncadd.s32 $0xFFFFEC00  }
0x11: {  	[spmem:s8], [sflag:s2] =	dma.local [hbm:s10], $0x280  }
0x12: {  	_ =	swait.ge [sflag:s9], $0x280  }
0x13: {  	[sflag:s9] =	ssyncset.done $0x0  }
0x14: {  	s11 =	sadd.s32 $0x600, s17;
	s10 =	simm.s32 $0x12000;
	[sflag:s9] =	ssyncadd.s32 $0xFFFFFD80  }
0x15: {  	[tilespmem:s10], [sflag:$0x6] =	stream.linear.gather [hbm4b:s11+s7], $0x400, $0x38;
	[tilespmem:$0x1D800] =	vst v63  }
0x16: {  	s24 =	smul.u32 $0xA00, s1;
	_ =	swait.ge [sflag:s9], $0x400  }
0x17: {  	s12 =	sadd.s32 $0xA800, s17;
	[sflag:s9] =	ssyncset.done $0x0  }
0x18: {  	s12 =	sadd.s32 s12, s24;
	[sflag:s9] =	ssyncadd.s32 $0xFFFFFC00  }
0x19: {  	[tilespmem:s7], [sflag:$0x6] =	stream.linear.gather [hbm4b:s12+s7], $0x5000, $0x38;
	[tilespmem:$0x1D800] =	vst v63  }
0x1a: {  	_ =	swait.ge [sflag:s9], $0x5000  }
0x1b: {  	s25 =	sadd.s32 $0x800, s17;
	[sflag:s9] =	ssyncset.done $0x0  }
0x1c: {  	s18 =	simm.s32 $0x5000;
	s11 =	sadd.s32 s25, s24;
	[sflag:s9] =	ssyncadd.s32 $0xFFFFB000  }
0x1d: {  	[tilespmem:s18], [sflag:$0x6] =	stream.linear.gather [hbm4b:s11+s7], $0x5000, $0x38;
	[tilespmem:$0x1D800] =	vst v63  }
0x1e: {  	_ =	swait.ge [sflag:s9], $0x5000  }
0x1f: {  	[sflag:s9] =	ssyncset.done $0x0  }
0x20: {  	[sflag:s9] =	ssyncadd.s32 $0xFFFFB000  }
0x21: {  	s12 =	simm.s32 $0xA000;
	s11 =	simm.s32 $0x80;
	[bflag:$0x0] =	sbarrier.arrive $0xFFFF  }
0x22: {  	[tilespmem:s12], [sflag:$0x1] =	stream.indirect.gather [hbm4b:s3+s11], $0x40, s7, s11, $0xb8;
	[tilespmem:$0x1D800] =	vst v63  }
0x23: {  	s13 =	simm.s32 $0xC000  }
0x24: {  	[tilespmem:s13], [sflag:$0x2] =	stream.indirect.gather [hbm4b:s3+s11], $0x40, s11, s11, $0xb8;
	[tilespmem:$0x1D800] =	vst v63  }
0x25: {  	s15 =	simm.s32 $0x100;
	s14 =	simm.s32 $0xE000  }
0x26: {  	[tilespmem:s14], [sflag:$0x3] =	stream.indirect.gather [hbm4b:s3+s11], $0x40, s15, s11, $0xb8;
	[tilespmem:$0x1D800] =	vst v63  }
0x27: {  	s16 =	simm.s32 $0x180;
	s15 =	simm.s32 $0x10000  }
0x28: {  	[tilespmem:s15], [sflag:$0x4] =	stream.indirect.gather [hbm4b:s3+s11], $0x40, s16, s11, $0xb8;
	[tilespmem:$0x1D800] =	vst v63  }
0x29: {  	s16 =	simm.s32 $0x1  }
0x2a: {  	_ =	swait.ge [sflag:s16], $0x2000  }
0x2b: {  	[sflag:s16] =	ssyncset.done $0x0  }
0x2c: {  	[sflag:s16] =	ssyncadd.s32 $0xFFFFE000  }
0x2d: {  	[spmem:s4] =	stream.indirect.scatter.add.f32 [tilespmem:s12], [sflag:$0x6], $0x40, s18, s11, $0xb8;
	[tilespmem:$0x1D800] =	vst v63  }
0x2e: {  	_ =	swait.ge [sflag:s9], $0x2000  }
0x2f: {  	[sflag:s9] =	ssyncset.done $0x0  }
0x30: {  	[sflag:s9] =	ssyncadd.s32 $0xFFFFE000  }
0x31: {  	[spmem:s5] =	stream.indirect.scatter.add.f32 [tilespmem:s10], [sflag:$0x5], $0x8, s18, s11, $0xb8;
	[tilespmem:$0x1D800] =	vst v63  }
0x32: {  	s26 =	simm.s32 $0x200;
	s18 =	simm.s32 $0x2  }
0x33: {  	[tilespmem:s12], [sflag:$0x1] =	stream.indirect.gather [hbm4b:s3+s11], $0x40, s26, s11, $0xb8;
	[tilespmem:$0x1D800] =	vst v63  }
0x34: {  	_ =	swait.ge [sflag:s18], $0x2000  }
0x35: {  	[sflag:s18] =	ssyncset.done $0x0  }
0x36: {  	s19 =	simm.s32 $0x5080;
	[sflag:s18] =	ssyncadd.s32 $0xFFFFE000  }
0x37: {  	[spmem:s4] =	stream.indirect.scatter.add.f32 [tilespmem:s13], [sflag:$0x6], $0x40, s19, s11, $0xb8;
	[tilespmem:$0x1D800] =	vst v63  }
0x38: {  	_ =	swait.ge [sflag:s9], $0x2000  }
0x39: {  	[sflag:s9] =	ssyncset.done $0x0  }
0x3a: {  	[sflag:s9] =	ssyncadd.s32 $0xFFFFE000  }
0x3b: {  	[spmem:s5] =	stream.indirect.scatter.add.f32 [tilespmem:s10], [sflag:$0x5], $0x8, s19, s11, $0xb8;
	[tilespmem:$0x1D800] =	vst v63  }
0x3c: {  	s28 =	simm.s32 $0x280;
	s19 =	simm.s32 $0x3  }
0x3d: {  	[tilespmem:s13], [sflag:$0x2] =	stream.indirect.gather [hbm4b:s3+s11], $0x40, s28, s11, $0xb8;
	[tilespmem:$0x1D800] =	vst v63  }
0x3e: {  	_ =	swait.ge [sflag:s19], $0x2000  }
0x3f: {  	[sflag:s19] =	ssyncset.done $0x0  }
0x40: {  	s22 =	simm.s32 $0x5100;
	[sflag:s19] =	ssyncadd.s32 $0xFFFFE000  }
0x41: {  	[spmem:s4] =	stream.indirect.scatter.add.f32 [tilespmem:s14], [sflag:$0x6], $0x40, s22, s11, $0xb8;
	[tilespmem:$0x1D800] =	vst v63  }
0x42: {  	_ =	swait.ge [sflag:s9], $0x2000  }
0x43: {  	[sflag:s9] =	ssyncset.done $0x0  }
0x44: {  	[sflag:s9] =	ssyncadd.s32 $0xFFFFE000  }
0x45: {  	[spmem:s5] =	stream.indirect.scatter.add.f32 [tilespmem:s10], [sflag:$0x5], $0x8, s22, s11, $0xb8;
	[tilespmem:$0x1D800] =	vst v63  }
0x46: {  	s29 =	simm.s32 $0x300;
	s22 =	simm.s32 $0x4  }
0x47: {  	[tilespmem:s14], [sflag:$0x3] =	stream.indirect.gather [hbm4b:s3+s11], $0x40, s29, s11, $0xb8;
	[tilespmem:$0x1D800] =	vst v63  }
0x48: {  	_ =	swait.ge [sflag:s22], $0x2000  }
0x49: {  	[sflag:s22] =	ssyncset.done $0x0  }
0x4a: {  	s23 =	simm.s32 $0x5180;
	[sflag:s22] =	ssyncadd.s32 $0xFFFFE000  }
0x4b: {  	[spmem:s4] =	stream.indirect.scatter.add.f32 [tilespmem:s15], [sflag:$0x6], $0x40, s23, s11, $0xb8;
	[tilespmem:$0x1D800] =	vst v63  }
0x4c: {  	s30 =	simm.s32 $0x380;
	_ =	swait.ge [sflag:s9], $0x2000  }
0x4d: {  	s20 =	sshrl.u32 s20, $0x3;
	s21 =	sshrl.u32 s21, $0x3;
	[sflag:s9] =	ssyncset.done $0x0  }
0x4e: {  	s20 =	sadd.s32 s20, s17;
	s31 =	sadd.s32 s21, s17;
	[sflag:s9] =	ssyncadd.s32 $0xFFFFE000  }
0x4f: {  	[spmem:s5] =	stream.indirect.scatter.add.f32 [tilespmem:s10], [sflag:$0x5], $0x8, s23, s11, $0xb8;
	[tilespmem:$0x1D800] =	vst v63  }
0x50: {  	s21 =	simm.s32 $0x5;
	s20 =	sadd.s32 $0x16000, s20;
	s17 =	sadd.s32 $0x2A000, s31  }
0x51: {  	[tilespmem:s15], [sflag:$0x4] =	stream.indirect.gather [hbm4b:s3+s11], $0x40, s30, s11, $0xb8;
	[tilespmem:$0x1D800] =	vst v63  }
.LBB2_2:
0x52: {  	_ =	swait.ge [sflag:s16], $0x2000  }
0x53: {  	s23 =	sshra.s32 s7, $0x2;
	[sflag:s16] =	ssyncset.done $0x0  }
0x54: {  	s24 =	sadd.s32 $0x5200, s23;
	[sflag:s16] =	ssyncadd.s32 $0xFFFFE000  }
0x55: {  	[spmem:s4] =	stream.indirect.scatter.add.f32 [tilespmem:s12], [sflag:$0x6], $0x40, s24, s11, $0xb8;
	[tilespmem:$0x1D800] =	vst v63  }
0x56: {  	_ =	swait.ge [sflag:s9], $0x2000  }
0x57: {  	[sflag:s9] =	ssyncset.done $0x0  }
0x58: {  	[sflag:s9] =	ssyncadd.s32 $0xFFFFE000  }
0x59: {  	[spmem:s5] =	stream.indirect.scatter.add.f32 [tilespmem:s10], [sflag:$0x5], $0x8, s24, s11, $0xb8;
	[tilespmem:$0x1D800] =	vst v63  }
0x5a: {  	p0 =	seq.s32 s7, $0x13000;
	_ =	swait.ge [sflag:s21], $0x400  }
0x5b: {  	s26 =	simm.s32 @!p0 $0x80;
	s24 =	sshra.s32 @!p0 s7, $0x2;
	[sflag:s21] =	ssyncset.done $0x0  }
0x5c: {  	s28 =	simm.s32 @!p0 $0xA000;
	s25 =	sadd.s32 @!p0 $0x400, s24;
	[sflag:s21] =	ssyncadd.s32 $0xFFFFFC00  }
0x5d: {  	[tilespmem:s28], [sflag:$0x1] =	stream.indirect.gather @!p0 [hbm4b:s3+s26], $0x40, s25, s26, $0xb8;
	[tilespmem:$0x1D800] =	vst v63  }
0x5e: {  	_ =	swait.ge [sflag:s18], $0x2000  }
0x5f: {  	[sflag:s18] =	ssyncset.done $0x0  }
0x60: {  	s29 =	sadd.s32 $0x5280, s23;
	[sflag:s18] =	ssyncadd.s32 $0xFFFFE000  }
0x61: {  	[spmem:s4] =	stream.indirect.scatter.add.f32 [tilespmem:s13], [sflag:$0x6], $0x40, s29, s11, $0xb8;
	[tilespmem:$0x1D800] =	vst v63  }
0x62: {  	_ =	swait.ge [sflag:s9], $0x2000  }
0x63: {  	[sflag:s9] =	ssyncset.done $0x0  }
0x64: {  	[sflag:s9] =	ssyncadd.s32 $0xFFFFE000  }
0x65: {  	[spmem:s5] =	stream.indirect.scatter.add.f32 [tilespmem:s10], [sflag:$0x5], $0x8, s29, s11, $0xb8;
	[tilespmem:$0x1D800] =	vst v63  }
0x66: {  	_ =	swait.ge [sflag:s21], $0x400  }
0x67: {  	[sflag:s21] =	ssyncset.done $0x0  }
0x68: {  	s25 =	sadd.s32 @!p0 $0x480, s24;
	s28 =	simm.s32 @!p0 $0xC000;
	[sflag:s21] =	ssyncadd.s32 $0xFFFFFC00  }
0x69: {  	[tilespmem:s28], [sflag:$0x2] =	stream.indirect.gather @!p0 [hbm4b:s3+s26], $0x40, s25, s26, $0xb8;
	[tilespmem:$0x1D800] =	vst v63  }
0x6a: {  	_ =	swait.ge [sflag:s19], $0x2000  }
0x6b: {  	[sflag:s19] =	ssyncset.done $0x0  }
0x6c: {  	s30 =	sadd.s32 $0x5300, s23;
	[sflag:s19] =	ssyncadd.s32 $0xFFFFE000  }
0x6d: {  	[spmem:s4] =	stream.indirect.scatter.add.f32 [tilespmem:s14], [sflag:$0x6], $0x40, s30, s11, $0xb8;
	[tilespmem:$0x1D800] =	vst v63  }
0x6e: {  	_ =	swait.ge [sflag:s9], $0x2000  }
0x6f: {  	[sflag:s9] =	ssyncset.done $0x0  }
0x70: {  	[sflag:s9] =	ssyncadd.s32 $0xFFFFE000  }
0x71: {  	[spmem:s5] =	stream.indirect.scatter.add.f32 [tilespmem:s10], [sflag:$0x5], $0x8, s30, s11, $0xb8;
	[tilespmem:$0x1D800] =	vst v63  }
0x72: {  	_ =	swait.ge [sflag:s21], $0x400  }
0x73: {  	[sflag:s21] =	ssyncset.done $0x0  }
0x74: {  	s24 =	sadd.s32 @!p0 $0x500, s24;
	s25 =	simm.s32 @!p0 $0xE000;
	[sflag:s21] =	ssyncadd.s32 $0xFFFFFC00  }
0x75: {  	[tilespmem:s25], [sflag:$0x3] =	stream.indirect.gather @!p0 [hbm4b:s3+s26], $0x40, s24, s26, $0xb8;
	[tilespmem:$0x1D800] =	vst v63  }
0x76: {  	_ =	swait.ge [sflag:s22], $0x2000  }
0x77: {  	[sflag:s22] =	ssyncset.done $0x0  }
0x78: {  	s31 =	sadd.s32 $0x5380, s23;
	[sflag:s22] =	ssyncadd.s32 $0xFFFFE000  }
0x79: {  	[spmem:s4] =	stream.indirect.scatter.add.f32 [tilespmem:s15], [sflag:$0x6], $0x40, s31, s11, $0xb8;
	[tilespmem:$0x1D800] =	vst v63  }
0x7a: {  	_ =	swait.ge [sflag:s9], $0x2000  }
0x7b: {  	[sflag:s9] =	ssyncset.done $0x0  }
.Ltmp1:
0x7c: {  	[sflag:s9] =	ssyncadd.s32 $0xFFFFE000;
	(pc) =	sbr.rel @p0 .LBB2_4-.Ltmp1, $4  }
0x7d: {  	[spmem:s5] =	stream.indirect.scatter.add.f32 [tilespmem:s10], [sflag:$0x5], $0x8, s31, s11, $0xb8;
	[tilespmem:$0x1D800] =	vst v63  }
0x7e: {  	_ =	swait.ge [sflag:s21], $0x400  }
0x7f: {  	[sflag:s21] =	ssyncset.done $0x0  }
0x80: {  	[sflag:s21] =	ssyncadd.s32 $0xFFFFFC00  }
.Ltmp2:
0x81: {  	(pc) =	sbr.rel .LBB2_2-.Ltmp2, $3  }
0x82: {  	_ =	sdelay $0x1  }
0x83: {  	s23 =	sadd.s32 $0x580, s23;
	s7 =	sadd.s32 $0x800, s7  }
0x84: {  	[tilespmem:s15], [sflag:$0x4] =	stream.indirect.gather [hbm4b:s3+s11], $0x40, s23, s11, $0xb8;
	[tilespmem:$0x1D800] =	vst v63  }
.LBB2_4:
0x85: {  	s3 =	simm.s32 $0x5  }
0x86: {  	_ =	swait.ge [sflag:s3], $0x400  }
0x87: {  	[sflag:s3] =	ssyncset.done $0x0  }
0x88: {  	[sflag:s3] =	ssyncadd.s32 $0xFFFFFC00  }
0x89: {  	_ =	swait.ge [sflag:s3], $0x400  }
0x8a: {  	[sflag:s3] =	ssyncset.done $0x0  }
0x8b: {  	[sflag:s3] =	ssyncadd.s32 $0xFFFFFC00  }
0x8c: {  	_ =	swait.ge [sflag:s3], $0x400  }
0x8d: {  	[sflag:s3] =	ssyncset.done $0x0  }
0x8e: {  	[sflag:s3] =	ssyncadd.s32 $0xFFFFFC00  }
0x8f: {  	_ =	swait.ge [sflag:s3], $0x400  }
0x90: {  	[sflag:s3] =	ssyncset.done $0x0  }
0x91: {  	[sflag:s3] =	ssyncadd.s32 $0xFFFFFC00  }
0x92: {  	s31 =	simm.s32 $0x6;
	[bflag:$0x0] =	sbarrier.arrive $0xFFFF  }
0x93: {  	[hbm:s20], [sflag:s2] =	dma.local [spmem:s6], $0x1400  }
0x94: {  	_ =	swait.ge [sflag:s31], $0x1400  }
0x95: {  	[sflag:s31] =	ssyncset.done $0x0  }
0x96: {  	[sflag:s31] =	ssyncadd.s32 $0xFFFFEC00  }
0x97: {  	[hbm:s17], [sflag:s2] =	dma.local [spmem:s8], $0x280  }
0x98: {  	_ =	swait.ge [sflag:s31], $0x280  }
0x99: {  	[sflag:s31] =	ssyncset.done $0x0  }
0x9a: {  	[sflag:s31] =	ssyncadd.s32 $0xFFFFFD80  }
.LBB2_5:
0x9b: {  	_ =	sfence.sel $0x180000  }
0x9c: {  	[bflag:$0x0] =	sbarrier.arrive $0xFFFF  }
0x9d: {  	p0 =	sne.s32 s1, $0x0;
	_ =	strace $0x90000047  }
0x9e: {  	s0 =	sadd.s32 @!p0 $0x100000, s0;
	[bflag:$0x2] =	sbarrier.arrive $0xFFFF  }
0x9f: {  	[sflag:s0] =	ssyncadd.tile.s32 @!p0 $0x1;
	_ =	shalt  }
.Lfunc_end2:
_tile_overlayer_lowered:
.L_overlay_start_2:
0xa0: {  	(tag) =	ssettag $0x2  }
0xa1: {  	s0 =	rddreg [dreg:$0x0];
	s2 =	stileid.u32  }
0xa2: {  	s1 =	rddreg [dreg:$0x1];
	p0 =	sne.s32 s2, $0x0  }
0xa3: {  	s3 =	rddreg [dreg:$0x2];
	[bflag:$0x3] =	sbarrier.arrive $0xFFFF;
	s2 =	simm.s32 @!p0 $0x1C06  }
0xa4: {  	[timem:s3], [sflag:s2] =	dma.local @!p0 [hbm:s0], s1  }
0xa5: {  	s0 =	simm.s32 @!p0 $0x6  }
0xa6: {  	_ =	swait.ge @!p0 [sflag:s0], s1  }
0xa7: {  	s1 =	ssub.s32 @!p0 $0x0, s1;
	[sflag:s0] =	ssyncset.done @!p0 $0x0  }
0xa8: {  	[sflag:s0] =	ssyncadd.s32 @!p0 s1  }
0xa9: {  	[bflag:$0x3] =	sbarrier.arrive $0xFFFF  }
0xaa: {  	_ =	shalt  }

</sc_bundles>
